<compile_context>
chip_gen: v7x
topology: tpu7x:2x2x1
jax: 0.10.2.dev20260603
libtpu: 0.0.44.dev20260713+nightly
codegen_flags: <defaults>
</compile_context>

<pallas_src>
import jax
import jax.numpy as jnp
from jax import lax
from jax.experimental import pallas as pl
from jax.experimental.pallas import tpu as pltpu
from jax.experimental.pallas import tpu_sc as plsc

B = 16384
D = 128
NC, NS, L = 2, 16, 16
NW = NC * NS
BPW = B // NW
CH = 128
NCH = BPW // CH
DEPTH = 2
IDEPTH = 3


def _sc_body(user_h, item_h, tag_h, ub_h, ib_h, ue_h, ie_h, te_h, out_h,
             uidx, iidx, tidx, urows, irows, ubv, ibv, scorev,
             gsem, isem2, tsem, bsem, isem, osem):
    wid = lax.axis_index("s") * NC + lax.axis_index("c")
    rowbase = wid * NCH

    def u_desc(c):
        return pltpu.make_async_copy(
            ue_h.at[uidx.at[c]], urows.at[c % DEPTH], gsem.at[c % DEPTH])

    def i_desc(c):
        return pltpu.make_async_copy(
            ie_h.at[iidx.at[c]], irows.at[c % IDEPTH], isem2.at[c % IDEPTH])

    def tadd_start(c):
        pltpu.async_copy(
            te_h.at[tidx.at[c]], irows.at[c % IDEPTH], tsem.at[c % IDEPTH], add=True)

    def tadd_wait(c):
        pltpu.make_async_copy(
            te_h.at[tidx.at[c]], irows.at[c % IDEPTH], tsem.at[c % IDEPTH]).wait()

    def bias_descs(c):
        return (
            pltpu.make_async_copy(ub_h.at[uidx.at[c]], ubv.at[c], bsem),
            pltpu.make_async_copy(ib_h.at[iidx.at[c]], ibv.at[c], bsem),
        )

    idx_stage = (
        pltpu.make_async_copy(user_h.at[pl.ds(rowbase, NCH)], uidx, isem.at[0]),
        pltpu.make_async_copy(item_h.at[pl.ds(rowbase, NCH)], iidx, isem.at[1]),
        pltpu.make_async_copy(tag_h.at[pl.ds(rowbase, NCH)], tidx, isem.at[2]),
    )
    for d in idx_stage:
        d.start()
    idx_stage[0].wait()
    for c in range(DEPTH):
        u_desc(c).start()
    for c in range(NCH):
        bias_descs(c)[0].start()
    idx_stage[1].wait()
    for c in range(min(IDEPTH, NCH)):
        i_desc(c).start()
    for c in range(NCH):
        bias_descs(c)[1].start()
    idx_stage[2].wait()
    i_desc(0).wait()
    tadd_start(0)

    for i in range(NCH):
        slot = i % DEPTH
        islot = i % IDEPTH
        if i + 1 < NCH:
            i_desc(i + 1).wait()
            tadd_start(i + 1)
        u_desc(i).wait()
        tadd_wait(i)
        for d in bias_descs(i):
            d.wait()

        def group(g, carry):
            lane = lax.iota(jnp.int32, L)

            def row(rr, acc):
                r = g * L + rr

                def term(k):
                    return urows[slot, r, pl.ds(k * L, L)] * irows[islot, r, pl.ds(k * L, L)]

                dv0 = term(0)
                dv1 = term(1)
                for k in range(2, D // L, 2):
                    dv0 = dv0 + term(k)
                    dv1 = dv1 + term(k + 1)
                return jnp.where(lane == rr, jnp.sum(dv0 + dv1), acc)

            acc = lax.fori_loop(0, L, row, jnp.zeros((L,), jnp.float32))
            scorev[i, pl.ds(g * L, L)] = (
                acc + ubv[i, pl.ds(g * L, L)] + ibv[i, pl.ds(g * L, L)]
            )
            return carry

        lax.fori_loop(0, CH // L, group, 0)
        if i + DEPTH < NCH:
            u_desc(i + DEPTH).start()
        if i + IDEPTH < NCH:
            i_desc(i + IDEPTH).start()

    out_copy = pltpu.make_async_copy(scorev, out_h.at[pl.ds(rowbase, NCH)], osem)
    out_copy.start()
    out_copy.wait()


def kernel(user, item, it_in, it_off, u_bias_w, i_bias_w, u_embed_w, i_embed_w, t_embed_w):
    del it_off
    ub = u_bias_w.reshape(-1)
    ib = i_bias_w.reshape(-1)
    user2 = user.reshape(B // CH, CH)
    item2 = item.reshape(B // CH, CH)
    tag2 = it_in.reshape(B // CH, CH)
    mesh = plsc.VectorSubcoreMesh(core_axis_name="c", subcore_axis_name="s")
    run = pl.kernel(
        _sc_body,
        out_type=jax.ShapeDtypeStruct((B // CH, CH), jnp.float32),
        mesh=mesh,
        compiler_params=pltpu.CompilerParams(needs_layout_passes=False, use_tc_tiling_on_sc=False),
        scratch_types=[
            pltpu.VMEM((NCH, CH), jnp.int32),
            pltpu.VMEM((NCH, CH), jnp.int32),
            pltpu.VMEM((NCH, CH), jnp.int32),
            pltpu.VMEM((DEPTH, CH, D), jnp.float32),
            pltpu.VMEM((IDEPTH, CH, D), jnp.float32),
            pltpu.VMEM((NCH, CH), jnp.float32),
            pltpu.VMEM((NCH, CH), jnp.float32),
            pltpu.VMEM((NCH, CH), jnp.float32),
            pltpu.SemaphoreType.DMA((DEPTH,)),
            pltpu.SemaphoreType.DMA((IDEPTH,)),
            pltpu.SemaphoreType.DMA((IDEPTH,)),
            pltpu.SemaphoreType.DMA,
            pltpu.SemaphoreType.DMA((3,)),
            pltpu.SemaphoreType.DMA,
        ],
    )
    out2 = run(user2, item2, tag2, ub, ib, u_embed_w, i_embed_w, t_embed_w)
    return out2.reshape(B)

# --- scband reference (transcript-rebuilt; emitter-appended) ---
"""Pipeline reference for scband-tag-mfnet-48790828482996 (READ-ONLY COPY).

The authoritative reference and input builder live on the scoring server;
editing this copy changes nothing except your own understanding.
"""

import jax, jax.numpy as jnp
import numpy as np

B = 16384
N_USERS = 100000
N_ITEMS = 100000
N_TAGS = 1000
D = 128


def setup_inputs(seed: int = 0) -> dict:
    key = jax.random.key(seed)
    ks = jax.random.split(key, 10)
    user = jax.random.randint(ks[0], (B,), 0, N_USERS, dtype=jnp.int32)
    item = jax.random.randint(ks[1], (B,), 0, N_ITEMS, dtype=jnp.int32)
    # item_tags tuple (input, offsets) for EmbeddingBag: one tag per item, offsets = arange(B)
    it_in = jax.random.randint(ks[2], (B,), 0, N_TAGS, dtype=jnp.int32)
    it_off = jnp.arange(B, dtype=jnp.int32)
    # learned parameters, scaled by 0.05 as in __init__
    u_bias_w = jax.random.normal(ks[3], (N_USERS, 1), dtype=jnp.float32) * 0.05
    i_bias_w = jax.random.normal(ks[4], (N_ITEMS, 1), dtype=jnp.float32) * 0.05
    u_embed_w = jax.random.normal(ks[5], (N_USERS, D), dtype=jnp.float32) * 0.05
    i_embed_w = jax.random.normal(ks[6], (N_ITEMS, D), dtype=jnp.float32) * 0.05
    t_embed_w = jax.random.normal(ks[7], (N_TAGS, D), dtype=jnp.float32) * 0.05
    return {
        "user": user,
        "item": item,
        "it_in": it_in,
        "it_off": it_off,
        "u_bias_w": u_bias_w,
        "i_bias_w": i_bias_w,
        "u_embed_w": u_embed_w,
        "i_embed_w": i_embed_w,
        "t_embed_w": t_embed_w,
    }


def _embedding_bag_mean(table, inp, offsets, n_bags):
    # Faithful EmbeddingBag(mode='mean'): segment-mean of gathered rows per bag.
    L = inp.shape[0]
    seg = jnp.searchsorted(offsets, jnp.arange(L), side="right") - 1
    gathered = jnp.take(table, inp, axis=0)
    sums = jax.ops.segment_sum(gathered, seg, num_segments=n_bags)
    counts = jax.ops.segment_sum(jnp.ones((L,), dtype=table.dtype), seg, num_segments=n_bags)
    return sums / jnp.maximum(counts, 1.0)[:, None]


def reference(user, item, it_in, it_off, u_bias_w, i_bias_w, u_embed_w, i_embed_w, t_embed_w):
    ub = jnp.take(u_bias_w, user, axis=0).reshape(user.shape)
    ib = jnp.take(i_bias_w, item, axis=0).reshape(item.shape)
    uvec = jnp.take(u_embed_w, user, axis=0)
    ivec = jnp.take(i_embed_w, item, axis=0)
    tvec = _embedding_bag_mean(t_embed_w, it_in, it_off, user.shape[0])
    tvec = tvec.reshape(ivec.shape)
    itvec = ivec + tvec
    score = ub + ib + jnp.sum(uvec * itvec, axis=-1)
    return score

if __name__ == "__main__":
    import jax
    _d = setup_inputs()
    print(jax.jit(kernel)(*tuple(_d.values())))

</pallas_src>

<mosaic_0001>
#map = affine_map<(d0, d1) -> (0, 0)>
#map1 = affine_map<(d0, d1) -> (0)>
module attributes {stable_mosaic.version = 14 : i64} {
  func.func @_sc_body(%arg0: i32, %arg1: i32, %arg2: memref<128x128xi32, #tpu.memory_space<hbm>>, %arg3: memref<128x128xi32, #tpu.memory_space<hbm>>, %arg4: memref<128x128xi32, #tpu.memory_space<hbm>>, %arg5: memref<100000xf32, #tpu.memory_space<hbm>>, %arg6: memref<100000xf32, #tpu.memory_space<hbm>>, %arg7: memref<100000x128xf32, #tpu.memory_space<hbm>>, %arg8: memref<100000x128xf32, #tpu.memory_space<hbm>>, %arg9: memref<1000x128xf32, #tpu.memory_space<hbm>>, %arg10: memref<128x128xf32, #tpu.memory_space<hbm>>, %arg11: memref<4x128xi32, #tpu.memory_space<vmem>>, %arg12: memref<4x128xi32, #tpu.memory_space<vmem>>, %arg13: memref<4x128xi32, #tpu.memory_space<vmem>>, %arg14: memref<2x128x128xf32, #tpu.memory_space<vmem>>, %arg15: memref<3x128x128xf32, #tpu.memory_space<vmem>>, %arg16: memref<4x128xf32, #tpu.memory_space<vmem>>, %arg17: memref<4x128xf32, #tpu.memory_space<vmem>>, %arg18: memref<4x128xf32, #tpu.memory_space<vmem>>, %arg19: memref<2x!tpu.dma_semaphore, #tpu.memory_space<semaphore_mem>>, %arg20: memref<3x!tpu.dma_semaphore, #tpu.memory_space<semaphore_mem>>, %arg21: memref<3x!tpu.dma_semaphore, #tpu.memory_space<semaphore_mem>>, %arg22: memref<!tpu.dma_semaphore, #tpu.memory_space<semaphore_mem>>, %arg23: memref<3x!tpu.dma_semaphore, #tpu.memory_space<semaphore_mem>>, %arg24: memref<!tpu.dma_semaphore, #tpu.memory_space<semaphore_mem>>) attributes {dimension_semantics = [#tpu.dimension_semantics<core_parallel>, #tpu.dimension_semantics<subcore_parallel>], iteration_bounds = array<i64: 2, 16>, scalar_prefetch = 0 : i64, scratch_operands = 14 : i64, tpu.core_type = #tpu.core_type<sc_vector_subcore>, window_params = [{transform_indices = #map}, {transform_indices = #map}, {transform_indices = #map}, {transform_indices = #map1}, {transform_indices = #map1}, {transform_indices = #map}, {transform_indices = #map}, {transform_indices = #map}, {transform_indices = #map}]} {
    %mul3A = arith.constant 2 : i32
    %mul3A_0 = arith.muli %arg1, %mul3A : i32
    %add3A = arith.addi %mul3A_0, %arg0 : i32
    %mul3A_1 = arith.constant 4 : i32
    %mul3A_2 = arith.muli %add3A, %mul3A_1 : i32
    %dma_start3A = arith.constant 0 : i32
    %dma_start3A_3 = arith.constant 0 : i32
    %dma_start3A_4 = tpu.memref_slice %arg2[%mul3A_2, %dma_start3A_3] : memref<128x128xi32, #tpu.memory_space<hbm>> -> memref<4x128xi32, #tpu.memory_space<hbm>>
    %dma_start3A_5 = tpu.memref_slice %arg23[%dma_start3A] : memref<3x!tpu.dma_semaphore, #tpu.memory_space<semaphore_mem>> -> memref<1x!tpu.dma_semaphore, #tpu.memory_space<semaphore_mem>>
    %dma_start3A_6 = tpu.memref_squeeze %dma_start3A_5 : memref<1x!tpu.dma_semaphore, #tpu.memory_space<semaphore_mem>> -> memref<!tpu.dma_semaphore, #tpu.memory_space<semaphore_mem>>
    %dma_start3A_7 = arith.constant 0 : i32
    %dma_start3A_8 = tpu.memref_slice %arg2[%mul3A_2, %dma_start3A_7] : memref<128x128xi32, #tpu.memory_space<hbm>> -> memref<4x128xi32, #tpu.memory_space<hbm>>
    tpu.enqueue_dma source(%dma_start3A_8 : memref<4x128xi32, #tpu.memory_space<hbm>>) target(%arg11 : memref<4x128xi32, #tpu.memory_space<vmem>>) target_semaphore(%dma_start3A_6 : memref<!tpu.dma_semaphore, #tpu.memory_space<semaphore_mem>>)
    %dma_start3A_9 = arith.constant 1 : i32
    %dma_start3A_10 = arith.constant 0 : i32
    %dma_start3A_11 = tpu.memref_slice %arg3[%mul3A_2, %dma_start3A_10] : memref<128x128xi32, #tpu.memory_space<hbm>> -> memref<4x128xi32, #tpu.memory_space<hbm>>
    %dma_start3A_12 = tpu.memref_slice %arg23[%dma_start3A_9] : memref<3x!tpu.dma_semaphore, #tpu.memory_space<semaphore_mem>> -> memref<1x!tpu.dma_semaphore, #tpu.memory_space<semaphore_mem>>
    %dma_start3A_13 = tpu.memref_squeeze %dma_start3A_12 : memref<1x!tpu.dma_semaphore, #tpu.memory_space<semaphore_mem>> -> memref<!tpu.dma_semaphore, #tpu.memory_space<semaphore_mem>>
    %dma_start3A_14 = arith.constant 0 : i32
    %dma_start3A_15 = tpu.memref_slice %arg3[%mul3A_2, %dma_start3A_14] : memref<128x128xi32, #tpu.memory_space<hbm>> -> memref<4x128xi32, #tpu.memory_space<hbm>>
    tpu.enqueue_dma source(%dma_start3A_15 : memref<4x128xi32, #tpu.memory_space<hbm>>) target(%arg12 : memref<4x128xi32, #tpu.memory_space<vmem>>) target_semaphore(%dma_start3A_13 : memref<!tpu.dma_semaphore, #tpu.memory_space<semaphore_mem>>)
    %dma_start3A_16 = arith.constant 2 : i32
    %dma_start3A_17 = arith.constant 0 : i32
    %dma_start3A_18 = tpu.memref_slice %arg4[%mul3A_2, %dma_start3A_17] : memref<128x128xi32, #tpu.memory_space<hbm>> -> memref<4x128xi32, #tpu.memory_space<hbm>>
    %dma_start3A_19 = tpu.memref_slice %arg23[%dma_start3A_16] : memref<3x!tpu.dma_semaphore, #tpu.memory_space<semaphore_mem>> -> memref<1x!tpu.dma_semaphore, #tpu.memory_space<semaphore_mem>>
    %dma_start3A_20 = tpu.memref_squeeze %dma_start3A_19 : memref<1x!tpu.dma_semaphore, #tpu.memory_space<semaphore_mem>> -> memref<!tpu.dma_semaphore, #tpu.memory_space<semaphore_mem>>
    %dma_start3A_21 = arith.constant 0 : i32
    %dma_start3A_22 = tpu.memref_slice %arg4[%mul3A_2, %dma_start3A_21] : memref<128x128xi32, #tpu.memory_space<hbm>> -> memref<4x128xi32, #tpu.memory_space<hbm>>
    tpu.enqueue_dma source(%dma_start3A_22 : memref<4x128xi32, #tpu.memory_space<hbm>>) target(%arg13 : memref<4x128xi32, #tpu.memory_space<vmem>>) target_semaphore(%dma_start3A_20 : memref<!tpu.dma_semaphore, #tpu.memory_space<semaphore_mem>>)
    %dma_wait3A = arith.constant 0 : i32
    %dma_wait3A_23 = arith.constant 0 : i32
    %dma_wait3A_24 = tpu.memref_slice %arg2[%mul3A_2, %dma_wait3A_23] : memref<128x128xi32, #tpu.memory_space<hbm>> -> memref<4x128xi32, #tpu.memory_space<hbm>>
    %dma_wait3A_25 = tpu.memref_slice %arg23[%dma_wait3A] : memref<3x!tpu.dma_semaphore, #tpu.memory_space<semaphore_mem>> -> memref<1x!tpu.dma_semaphore, #tpu.memory_space<semaphore_mem>>
    %dma_wait3A_26 = tpu.memref_squeeze %dma_wait3A_25 : memref<1x!tpu.dma_semaphore, #tpu.memory_space<semaphore_mem>> -> memref<!tpu.dma_semaphore, #tpu.memory_space<semaphore_mem>>
    %dma_wait3A_27 = arith.constant 0 : i32
    %dma_wait3A_28 = tpu.memref_slice %arg2[%mul3A_2, %dma_wait3A_27] : memref<128x128xi32, #tpu.memory_space<hbm>> -> memref<4x128xi32, #tpu.memory_space<hbm>>
    tpu.wait_dma2 semaphore(%dma_wait3A_26 : memref<!tpu.dma_semaphore, #tpu.memory_space<semaphore_mem>>) src(%dma_wait3A_28 : memref<4x128xi32, #tpu.memory_space<hbm>>) dst(%arg11 : memref<4x128xi32, #tpu.memory_space<vmem>>)
    %dma_start3A_29 = arith.constant 0 : i32
    %dma_start3A_30 = arith.constant 0 : i32
    %dma_start3A_31 = arith.constant 0 : i32
    %dma_start3A_32 = arith.constant 0 : i32
    %dma_start3A_33 = arith.constant 0 : i32
    %dma_start3A_34 = tpu.memref_slice %arg14[%dma_start3A_30, %dma_start3A_32, %dma_start3A_33] : memref<2x128x128xf32, #tpu.memory_space<vmem>> -> memref<1x128x128xf32, #tpu.memory_space<vmem>>
    %dma_start3A_35 = tpu.memref_squeeze %dma_start3A_34 : memref<1x128x128xf32, #tpu.memory_space<vmem>> -> memref<128x128xf32, #tpu.memory_space<vmem>>
    %dma_start3A_36 = arith.constant 0 : i32
    %dma_start3A_37 = tpu.memref_slice %arg11[%dma_start3A_29, %dma_start3A_36] : memref<4x128xi32, #tpu.memory_space<vmem>> -> memref<1x128xi32, #tpu.memory_space<vmem>>
    %dma_start3A_38 = tpu.memref_squeeze %dma_start3A_37 : memref<1x128xi32, #tpu.memory_space<vmem>> -> memref<128xi32, #tpu.memory_space<vmem>>
    %dma_start3A_39 = arith.constant 0 : i32
    %dma_start3A_40 = arith.constant 0 : i32
    %dma_start3A_41 = tpu.memref_slice %arg7[%dma_start3A_39, %dma_start3A_40] : memref<100000x128xf32, #tpu.memory_space<hbm>> -> memref<100000x128xf32, #tpu.memory_space<hbm>>
    %dma_start3A_42 = tpu.memref_slice %arg19[%dma_start3A_31] : memref<2x!tpu.dma_semaphore, #tpu.memory_space<semaphore_mem>> -> memref<1x!tpu.dma_semaphore, #tpu.memory_space<semaphore_mem>>
    %dma_start3A_43 = tpu.memref_squeeze %dma_start3A_42 : memref<1x!tpu.dma_semaphore, #tpu.memory_space<semaphore_mem>> -> memref<!tpu.dma_semaphore, #tpu.memory_space<semaphore_mem>>
    tpu.enqueue_indirect_dma source(%dma_start3A_41 : memref<100000x128xf32, #tpu.memory_space<hbm>>) target(%dma_start3A_35 : memref<128x128xf32, #tpu.memory_space<vmem>>) offsets(%dma_start3A_38 : memref<128xi32, #tpu.memory_space<vmem>>) semaphore(%dma_start3A_43 : memref<!tpu.dma_semaphore, #tpu.memory_space<semaphore_mem>>)
    %dma_start3A_44 = arith.constant 1 : i32
    %dma_start3A_45 = arith.constant 1 : i32
    %dma_start3A_46 = arith.constant 1 : i32
    %dma_start3A_47 = arith.constant 0 : i32
    %dma_start3A_48 = arith.constant 0 : i32
    %dma_start3A_49 = tpu.memref_slice %arg14[%dma_start3A_45, %dma_start3A_47, %dma_start3A_48] : memref<2x128x128xf32, #tpu.memory_space<vmem>> -> memref<1x128x128xf32, #tpu.memory_space<vmem>>
    %dma_start3A_50 = tpu.memref_squeeze %dma_start3A_49 : memref<1x128x128xf32, #tpu.memory_space<vmem>> -> memref<128x128xf32, #tpu.memory_space<vmem>>
    %dma_start3A_51 = arith.constant 0 : i32
    %dma_start3A_52 = tpu.memref_slice %arg11[%dma_start3A_44, %dma_start3A_51] : memref<4x128xi32, #tpu.memory_space<vmem>> -> memref<1x128xi32, #tpu.memory_space<vmem>>
    %dma_start3A_53 = tpu.memref_squeeze %dma_start3A_52 : memref<1x128xi32, #tpu.memory_space<vmem>> -> memref<128xi32, #tpu.memory_space<vmem>>
    %dma_start3A_54 = arith.constant 0 : i32
    %dma_start3A_55 = arith.constant 0 : i32
    %dma_start3A_56 = tpu.memref_slice %arg7[%dma_start3A_54, %dma_start3A_55] : memref<100000x128xf32, #tpu.memory_space<hbm>> -> memref<100000x128xf32, #tpu.memory_space<hbm>>
    %dma_start3A_57 = tpu.memref_slice %arg19[%dma_start3A_46] : memref<2x!tpu.dma_semaphore, #tpu.memory_space<semaphore_mem>> -> memref<1x!tpu.dma_semaphore, #tpu.memory_space<semaphore_mem>>
    %dma_start3A_58 = tpu.memref_squeeze %dma_start3A_57 : memref<1x!tpu.dma_semaphore, #tpu.memory_space<semaphore_mem>> -> memref<!tpu.dma_semaphore, #tpu.memory_space<semaphore_mem>>
    tpu.enqueue_indirect_dma source(%dma_start3A_56 : memref<100000x128xf32, #tpu.memory_space<hbm>>) target(%dma_start3A_50 : memref<128x128xf32, #tpu.memory_space<vmem>>) offsets(%dma_start3A_53 : memref<128xi32, #tpu.memory_space<vmem>>) semaphore(%dma_start3A_58 : memref<!tpu.dma_semaphore, #tpu.memory_space<semaphore_mem>>)
    %dma_start3A_59 = arith.constant 0 : i32
    %dma_start3A_60 = arith.constant 0 : i32
    %dma_start3A_61 = arith.constant 0 : i32
    %dma_start3A_62 = tpu.memref_slice %arg16[%dma_start3A_60, %dma_start3A_61] : memref<4x128xf32, #tpu.memory_space<vmem>> -> memref<1x128xf32, #tpu.memory_space<vmem>>
    %dma_start3A_63 = tpu.memref_squeeze %dma_start3A_62 : memref<1x128xf32, #tpu.memory_space<vmem>> -> memref<128xf32, #tpu.memory_space<vmem>>
    %dma_start3A_64 = arith.constant 0 : i32
    %dma_start3A_65 = tpu.memref_slice %arg11[%dma_start3A_59, %dma_start3A_64] : memref<4x128xi32, #tpu.memory_space<vmem>> -> memref<1x128xi32, #tpu.memory_space<vmem>>
    %dma_start3A_66 = tpu.memref_squeeze %dma_start3A_65 : memref<1x128xi32, #tpu.memory_space<vmem>> -> memref<128xi32, #tpu.memory_space<vmem>>
    %dma_start3A_67 = arith.constant 0 : i32
    %dma_start3A_68 = tpu.memref_slice %arg5[%dma_start3A_67] : memref<100000xf32, #tpu.memory_space<hbm>> -> memref<100000xf32, #tpu.memory_space<hbm>>
    tpu.enqueue_indirect_dma source(%dma_start3A_68 : memref<100000xf32, #tpu.memory_space<hbm>>) target(%dma_start3A_63 : memref<128xf32, #tpu.memory_space<vmem>>) offsets(%dma_start3A_66 : memref<128xi32, #tpu.memory_space<vmem>>) semaphore(%arg22 : memref<!tpu.dma_semaphore, #tpu.memory_space<semaphore_mem>>)
    %dma_start3A_69 = arith.constant 1 : i32
    %dma_start3A_70 = arith.constant 1 : i32
    %dma_start3A_71 = arith.constant 0 : i32
    %dma_start3A_72 = tpu.memref_slice %arg16[%dma_start3A_70, %dma_start3A_71] : memref<4x128xf32, #tpu.memory_space<vmem>> -> memref<1x128xf32, #tpu.memory_space<vmem>>
    %dma_start3A_73 = tpu.memref_squeeze %dma_start3A_72 : memref<1x128xf32, #tpu.memory_space<vmem>> -> memref<128xf32, #tpu.memory_space<vmem>>
    %dma_start3A_74 = arith.constant 0 : i32
    %dma_start3A_75 = tpu.memref_slice %arg11[%dma_start3A_69, %dma_start3A_74] : memref<4x128xi32, #tpu.memory_space<vmem>> -> memref<1x128xi32, #tpu.memory_space<vmem>>
    %dma_start3A_76 = tpu.memref_squeeze %dma_start3A_75 : memref<1x128xi32, #tpu.memory_space<vmem>> -> memref<128xi32, #tpu.memory_space<vmem>>
    %dma_start3A_77 = arith.constant 0 : i32
    %dma_start3A_78 = tpu.memref_slice %arg5[%dma_start3A_77] : memref<100000xf32, #tpu.memory_space<hbm>> -> memref<100000xf32, #tpu.memory_space<hbm>>
    tpu.enqueue_indirect_dma source(%dma_start3A_78 : memref<100000xf32, #tpu.memory_space<hbm>>) target(%dma_start3A_73 : memref<128xf32, #tpu.memory_space<vmem>>) offsets(%dma_start3A_76 : memref<128xi32, #tpu.memory_space<vmem>>) semaphore(%arg22 : memref<!tpu.dma_semaphore, #tpu.memory_space<semaphore_mem>>)
    %dma_start3A_79 = arith.constant 2 : i32
    %dma_start3A_80 = arith.constant 2 : i32
    %dma_start3A_81 = arith.constant 0 : i32
    %dma_start3A_82 = tpu.memref_slice %arg16[%dma_start3A_80, %dma_start3A_81] : memref<4x128xf32, #tpu.memory_space<vmem>> -> memref<1x128xf32, #tpu.memory_space<vmem>>
    %dma_start3A_83 = tpu.memref_squeeze %dma_start3A_82 : memref<1x128xf32, #tpu.memory_space<vmem>> -> memref<128xf32, #tpu.memory_space<vmem>>
    %dma_start3A_84 = arith.constant 0 : i32
    %dma_start3A_85 = tpu.memref_slice %arg11[%dma_start3A_79, %dma_start3A_84] : memref<4x128xi32, #tpu.memory_space<vmem>> -> memref<1x128xi32, #tpu.memory_space<vmem>>
    %dma_start3A_86 = tpu.memref_squeeze %dma_start3A_85 : memref<1x128xi32, #tpu.memory_space<vmem>> -> memref<128xi32, #tpu.memory_space<vmem>>
    %dma_start3A_87 = arith.constant 0 : i32
    %dma_start3A_88 = tpu.memref_slice %arg5[%dma_start3A_87] : memref<100000xf32, #tpu.memory_space<hbm>> -> memref<100000xf32, #tpu.memory_space<hbm>>
    tpu.enqueue_indirect_dma source(%dma_start3A_88 : memref<100000xf32, #tpu.memory_space<hbm>>) target(%dma_start3A_83 : memref<128xf32, #tpu.memory_space<vmem>>) offsets(%dma_start3A_86 : memref<128xi32, #tpu.memory_space<vmem>>) semaphore(%arg22 : memref<!tpu.dma_semaphore, #tpu.memory_space<semaphore_mem>>)
    %dma_start3A_89 = arith.constant 3 : i32
    %dma_start3A_90 = arith.constant 3 : i32
    %dma_start3A_91 = arith.constant 0 : i32
    %dma_start3A_92 = tpu.memref_slice %arg16[%dma_start3A_90, %dma_start3A_91] : memref<4x128xf32, #tpu.memory_space<vmem>> -> memref<1x128xf32, #tpu.memory_space<vmem>>
    %dma_start3A_93 = tpu.memref_squeeze %dma_start3A_92 : memref<1x128xf32, #tpu.memory_space<vmem>> -> memref<128xf32, #tpu.memory_space<vmem>>
    %dma_start3A_94 = arith.constant 0 : i32
    %dma_start3A_95 = tpu.memref_slice %arg11[%dma_start3A_89, %dma_start3A_94] : memref<4x128xi32, #tpu.memory_space<vmem>> -> memref<1x128xi32, #tpu.memory_space<vmem>>
    %dma_start3A_96 = tpu.memref_squeeze %dma_start3A_95 : memref<1x128xi32, #tpu.memory_space<vmem>> -> memref<128xi32, #tpu.memory_space<vmem>>
    %dma_start3A_97 = arith.constant 0 : i32
    %dma_start3A_98 = tpu.memref_slice %arg5[%dma_start3A_97] : memref<100000xf32, #tpu.memory_space<hbm>> -> memref<100000xf32, #tpu.memory_space<hbm>>
    tpu.enqueue_indirect_dma source(%dma_start3A_98 : memref<100000xf32, #tpu.memory_space<hbm>>) target(%dma_start3A_93 : memref<128xf32, #tpu.memory_space<vmem>>) offsets(%dma_start3A_96 : memref<128xi32, #tpu.memory_space<vmem>>) semaphore(%arg22 : memref<!tpu.dma_semaphore, #tpu.memory_space<semaphore_mem>>)
    %dma_wait3A_99 = arith.constant 1 : i32
    %dma_wait3A_100 = arith.constant 0 : i32
    %dma_wait3A_101 = tpu.memref_slice %arg3[%mul3A_2, %dma_wait3A_100] : memref<128x128xi32, #tpu.memory_space<hbm>> -> memref<4x128xi32, #tpu.memory_space<hbm>>
    %dma_wait3A_102 = tpu.memref_slice %arg23[%dma_wait3A_99] : memref<3x!tpu.dma_semaphore, #tpu.memory_space<semaphore_mem>> -> memref<1x!tpu.dma_semaphore, #tpu.memory_space<semaphore_mem>>
    %dma_wait3A_103 = tpu.memref_squeeze %dma_wait3A_102 : memref<1x!tpu.dma_semaphore, #tpu.memory_space<semaphore_mem>> -> memref<!tpu.dma_semaphore, #tpu.memory_space<semaphore_mem>>
    %dma_wait3A_104 = arith.constant 0 : i32
    %dma_wait3A_105 = tpu.memref_slice %arg3[%mul3A_2, %dma_wait3A_104] : memref<128x128xi32, #tpu.memory_space<hbm>> -> memref<4x128xi32, #tpu.memory_space<hbm>>
    tpu.wait_dma2 semaphore(%dma_wait3A_103 : memref<!tpu.dma_semaphore, #tpu.memory_space<semaphore_mem>>) src(%dma_wait3A_105 : memref<4x128xi32, #tpu.memory_space<hbm>>) dst(%arg12 : memref<4x128xi32, #tpu.memory_space<vmem>>)
    %dma_start3A_106 = arith.constant 0 : i32
    %dma_start3A_107 = arith.constant 0 : i32
    %dma_start3A_108 = arith.constant 0 : i32
    %dma_start3A_109 = arith.constant 0 : i32
    %dma_start3A_110 = arith.constant 0 : i32
    %dma_start3A_111 = tpu.memref_slice %arg15[%dma_start3A_107, %dma_start3A_109, %dma_start3A_110] : memref<3x128x128xf32, #tpu.memory_space<vmem>> -> memref<1x128x128xf32, #tpu.memory_space<vmem>>
    %dma_start3A_112 = tpu.memref_squeeze %dma_start3A_111 : memref<1x128x128xf32, #tpu.memory_space<vmem>> -> memref<128x128xf32, #tpu.memory_space<vmem>>
    %dma_start3A_113 = arith.constant 0 : i32
    %dma_start3A_114 = tpu.memref_slice %arg12[%dma_start3A_106, %dma_start3A_113] : memref<4x128xi32, #tpu.memory_space<vmem>> -> memref<1x128xi32, #tpu.memory_space<vmem>>
    %dma_start3A_115 = tpu.memref_squeeze %dma_start3A_114 : memref<1x128xi32, #tpu.memory_space<vmem>> -> memref<128xi32, #tpu.memory_space<vmem>>
    %dma_start3A_116 = arith.constant 0 : i32
    %dma_start3A_117 = arith.constant 0 : i32
    %dma_start3A_118 = tpu.memref_slice %arg8[%dma_start3A_116, %dma_start3A_117] : memref<100000x128xf32, #tpu.memory_space<hbm>> -> memref<100000x128xf32, #tpu.memory_space<hbm>>
    %dma_start3A_119 = tpu.memref_slice %arg20[%dma_start3A_108] : memref<3x!tpu.dma_semaphore, #tpu.memory_space<semaphore_mem>> -> memref<1x!tpu.dma_semaphore, #tpu.memory_space<semaphore_mem>>
    %dma_start3A_120 = tpu.memref_squeeze %dma_start3A_119 : memref<1x!tpu.dma_semaphore, #tpu.memory_space<semaphore_mem>> -> memref<!tpu.dma_semaphore, #tpu.memory_space<semaphore_mem>>
    tpu.enqueue_indirect_dma source(%dma_start3A_118 : memref<100000x128xf32, #tpu.memory_space<hbm>>) target(%dma_start3A_112 : memref<128x128xf32, #tpu.memory_space<vmem>>) offsets(%dma_start3A_115 : memref<128xi32, #tpu.memory_space<vmem>>) semaphore(%dma_start3A_120 : memref<!tpu.dma_semaphore, #tpu.memory_space<semaphore_mem>>)
    %dma_start3A_121 = arith.constant 1 : i32
    %dma_start3A_122 = arith.constant 1 : i32
    %dma_start3A_123 = arith.constant 1 : i32
    %dma_start3A_124 = arith.constant 0 : i32
    %dma_start3A_125 = arith.constant 0 : i32
    %dma_start3A_126 = tpu.memref_slice %arg15[%dma_start3A_122, %dma_start3A_124, %dma_start3A_125] : memref<3x128x128xf32, #tpu.memory_space<vmem>> -> memref<1x128x128xf32, #tpu.memory_space<vmem>>
    %dma_start3A_127 = tpu.memref_squeeze %dma_start3A_126 : memref<1x128x128xf32, #tpu.memory_space<vmem>> -> memref<128x128xf32, #tpu.memory_space<vmem>>
    %dma_start3A_128 = arith.constant 0 : i32
    %dma_start3A_129 = tpu.memref_slice %arg12[%dma_start3A_121, %dma_start3A_128] : memref<4x128xi32, #tpu.memory_space<vmem>> -> memref<1x128xi32, #tpu.memory_space<vmem>>
    %dma_start3A_130 = tpu.memref_squeeze %dma_start3A_129 : memref<1x128xi32, #tpu.memory_space<vmem>> -> memref<128xi32, #tpu.memory_space<vmem>>
    %dma_start3A_131 = arith.constant 0 : i32
    %dma_start3A_132 = arith.constant 0 : i32
    %dma_start3A_133 = tpu.memref_slice %arg8[%dma_start3A_131, %dma_start3A_132] : memref<100000x128xf32, #tpu.memory_space<hbm>> -> memref<100000x128xf32, #tpu.memory_space<hbm>>
    %dma_start3A_134 = tpu.memref_slice %arg20[%dma_start3A_123] : memref<3x!tpu.dma_semaphore, #tpu.memory_space<semaphore_mem>> -> memref<1x!tpu.dma_semaphore, #tpu.memory_space<semaphore_mem>>
    %dma_start3A_135 = tpu.memref_squeeze %dma_start3A_134 : memref<1x!tpu.dma_semaphore, #tpu.memory_space<semaphore_mem>> -> memref<!tpu.dma_semaphore, #tpu.memory_space<semaphore_mem>>
    tpu.enqueue_indirect_dma source(%dma_start3A_133 : memref<100000x128xf32, #tpu.memory_space<hbm>>) target(%dma_start3A_127 : memref<128x128xf32, #tpu.memory_space<vmem>>) offsets(%dma_start3A_130 : memref<128xi32, #tpu.memory_space<vmem>>) semaphore(%dma_start3A_135 : memref<!tpu.dma_semaphore, #tpu.memory_space<semaphore_mem>>)
    %dma_start3A_136 = arith.constant 2 : i32
    %dma_start3A_137 = arith.constant 2 : i32
    %dma_start3A_138 = arith.constant 2 : i32
    %dma_start3A_139 = arith.constant 0 : i32
    %dma_start3A_140 = arith.constant 0 : i32
    %dma_start3A_141 = tpu.memref_slice %arg15[%dma_start3A_137, %dma_start3A_139, %dma_start3A_140] : memref<3x128x128xf32, #tpu.memory_space<vmem>> -> memref<1x128x128xf32, #tpu.memory_space<vmem>>
    %dma_start3A_142 = tpu.memref_squeeze %dma_start3A_141 : memref<1x128x128xf32, #tpu.memory_space<vmem>> -> memref<128x128xf32, #tpu.memory_space<vmem>>
    %dma_start3A_143 = arith.constant 0 : i32
    %dma_start3A_144 = tpu.memref_slice %arg12[%dma_start3A_136, %dma_start3A_143] : memref<4x128xi32, #tpu.memory_space<vmem>> -> memref<1x128xi32, #tpu.memory_space<vmem>>
    %dma_start3A_145 = tpu.memref_squeeze %dma_start3A_144 : memref<1x128xi32, #tpu.memory_space<vmem>> -> memref<128xi32, #tpu.memory_space<vmem>>
    %dma_start3A_146 = arith.constant 0 : i32
    %dma_start3A_147 = arith.constant 0 : i32
    %dma_start3A_148 = tpu.memref_slice %arg8[%dma_start3A_146, %dma_start3A_147] : memref<100000x128xf32, #tpu.memory_space<hbm>> -> memref<100000x128xf32, #tpu.memory_space<hbm>>
    %dma_start3A_149 = tpu.memref_slice %arg20[%dma_start3A_138] : memref<3x!tpu.dma_semaphore, #tpu.memory_space<semaphore_mem>> -> memref<1x!tpu.dma_semaphore, #tpu.memory_space<semaphore_mem>>
    %dma_start3A_150 = tpu.memref_squeeze %dma_start3A_149 : memref<1x!tpu.dma_semaphore, #tpu.memory_space<semaphore_mem>> -> memref<!tpu.dma_semaphore, #tpu.memory_space<semaphore_mem>>
    tpu.enqueue_indirect_dma source(%dma_start3A_148 : memref<100000x128xf32, #tpu.memory_space<hbm>>) target(%dma_start3A_142 : memref<128x128xf32, #tpu.memory_space<vmem>>) offsets(%dma_start3A_145 : memref<128xi32, #tpu.memory_space<vmem>>) semaphore(%dma_start3A_150 : memref<!tpu.dma_semaphore, #tpu.memory_space<semaphore_mem>>)
    %dma_start3A_151 = arith.constant 0 : i32
    %dma_start3A_152 = arith.constant 0 : i32
    %dma_start3A_153 = arith.constant 0 : i32
    %dma_start3A_154 = tpu.memref_slice %arg17[%dma_start3A_152, %dma_start3A_153] : memref<4x128xf32, #tpu.memory_space<vmem>> -> memref<1x128xf32, #tpu.memory_space<vmem>>
    %dma_start3A_155 = tpu.memref_squeeze %dma_start3A_154 : memref<1x128xf32, #tpu.memory_space<vmem>> -> memref<128xf32, #tpu.memory_space<vmem>>
    %dma_start3A_156 = arith.constant 0 : i32
    %dma_start3A_157 = tpu.memref_slice %arg12[%dma_start3A_151, %dma_start3A_156] : memref<4x128xi32, #tpu.memory_space<vmem>> -> memref<1x128xi32, #tpu.memory_space<vmem>>
    %dma_start3A_158 = tpu.memref_squeeze %dma_start3A_157 : memref<1x128xi32, #tpu.memory_space<vmem>> -> memref<128xi32, #tpu.memory_space<vmem>>
    %dma_start3A_159 = arith.constant 0 : i32
    %dma_start3A_160 = tpu.memref_slice %arg6[%dma_start3A_159] : memref<100000xf32, #tpu.memory_space<hbm>> -> memref<100000xf32, #tpu.memory_space<hbm>>
    tpu.enqueue_indirect_dma source(%dma_start3A_160 : memref<100000xf32, #tpu.memory_space<hbm>>) target(%dma_start3A_155 : memref<128xf32, #tpu.memory_space<vmem>>) offsets(%dma_start3A_158 : memref<128xi32, #tpu.memory_space<vmem>>) semaphore(%arg22 : memref<!tpu.dma_semaphore, #tpu.memory_space<semaphore_mem>>)
    %dma_start3A_161 = arith.constant 1 : i32
    %dma_start3A_162 = arith.constant 1 : i32
    %dma_start3A_163 = arith.constant 0 : i32
    %dma_start3A_164 = tpu.memref_slice %arg17[%dma_start3A_162, %dma_start3A_163] : memref<4x128xf32, #tpu.memory_space<vmem>> -> memref<1x128xf32, #tpu.memory_space<vmem>>
    %dma_start3A_165 = tpu.memref_squeeze %dma_start3A_164 : memref<1x128xf32, #tpu.memory_space<vmem>> -> memref<128xf32, #tpu.memory_space<vmem>>
    %dma_start3A_166 = arith.constant 0 : i32
    %dma_start3A_167 = tpu.memref_slice %arg12[%dma_start3A_161, %dma_start3A_166] : memref<4x128xi32, #tpu.memory_space<vmem>> -> memref<1x128xi32, #tpu.memory_space<vmem>>
    %dma_start3A_168 = tpu.memref_squeeze %dma_start3A_167 : memref<1x128xi32, #tpu.memory_space<vmem>> -> memref<128xi32, #tpu.memory_space<vmem>>
    %dma_start3A_169 = arith.constant 0 : i32
    %dma_start3A_170 = tpu.memref_slice %arg6[%dma_start3A_169] : memref<100000xf32, #tpu.memory_space<hbm>> -> memref<100000xf32, #tpu.memory_space<hbm>>
    tpu.enqueue_indirect_dma source(%dma_start3A_170 : memref<100000xf32, #tpu.memory_space<hbm>>) target(%dma_start3A_165 : memref<128xf32, #tpu.memory_space<vmem>>) offsets(%dma_start3A_168 : memref<128xi32, #tpu.memory_space<vmem>>) semaphore(%arg22 : memref<!tpu.dma_semaphore, #tpu.memory_space<semaphore_mem>>)
    %dma_start3A_171 = arith.constant 2 : i32
    %dma_start3A_172 = arith.constant 2 : i32
    %dma_start3A_173 = arith.constant 0 : i32
    %dma_start3A_174 = tpu.memref_slice %arg17[%dma_start3A_172, %dma_start3A_173] : memref<4x128xf32, #tpu.memory_space<vmem>> -> memref<1x128xf32, #tpu.memory_space<vmem>>
    %dma_start3A_175 = tpu.memref_squeeze %dma_start3A_174 : memref<1x128xf32, #tpu.memory_space<vmem>> -> memref<128xf32, #tpu.memory_space<vmem>>
    %dma_start3A_176 = arith.constant 0 : i32
    %dma_start3A_177 = tpu.memref_slice %arg12[%dma_start3A_171, %dma_start3A_176] : memref<4x128xi32, #tpu.memory_space<vmem>> -> memref<1x128xi32, #tpu.memory_space<vmem>>
    %dma_start3A_178 = tpu.memref_squeeze %dma_start3A_177 : memref<1x128xi32, #tpu.memory_space<vmem>> -> memref<128xi32, #tpu.memory_space<vmem>>
    %dma_start3A_179 = arith.constant 0 : i32
    %dma_start3A_180 = tpu.memref_slice %arg6[%dma_start3A_179] : memref<100000xf32, #tpu.memory_space<hbm>> -> memref<100000xf32, #tpu.memory_space<hbm>>
    tpu.enqueue_indirect_dma source(%dma_start3A_180 : memref<100000xf32, #tpu.memory_space<hbm>>) target(%dma_start3A_175 : memref<128xf32, #tpu.memory_space<vmem>>) offsets(%dma_start3A_178 : memref<128xi32, #tpu.memory_space<vmem>>) semaphore(%arg22 : memref<!tpu.dma_semaphore, #tpu.memory_space<semaphore_mem>>)
    %dma_start3A_181 = arith.constant 3 : i32
    %dma_start3A_182 = arith.constant 3 : i32
    %dma_start3A_183 = arith.constant 0 : i32
    %dma_start3A_184 = tpu.memref_slice %arg17[%dma_start3A_182, %dma_start3A_183] : memref<4x128xf32, #tpu.memory_space<vmem>> -> memref<1x128xf32, #tpu.memory_space<vmem>>
    %dma_start3A_185 = tpu.memref_squeeze %dma_start3A_184 : memref<1x128xf32, #tpu.memory_space<vmem>> -> memref<128xf32, #tpu.memory_space<vmem>>
    %dma_start3A_186 = arith.constant 0 : i32
    %dma_start3A_187 = tpu.memref_slice %arg12[%dma_start3A_181, %dma_start3A_186] : memref<4x128xi32, #tpu.memory_space<vmem>> -> memref<1x128xi32, #tpu.memory_space<vmem>>
    %dma_start3A_188 = tpu.memref_squeeze %dma_start3A_187 : memref<1x128xi32, #tpu.memory_space<vmem>> -> memref<128xi32, #tpu.memory_space<vmem>>
    %dma_start3A_189 = arith.constant 0 : i32
    %dma_start3A_190 = tpu.memref_slice %arg6[%dma_start3A_189] : memref<100000xf32, #tpu.memory_space<hbm>> -> memref<100000xf32, #tpu.memory_space<hbm>>
    tpu.enqueue_indirect_dma source(%dma_start3A_190 : memref<100000xf32, #tpu.memory_space<hbm>>) target(%dma_start3A_185 : memref<128xf32, #tpu.memory_space<vmem>>) offsets(%dma_start3A_188 : memref<128xi32, #tpu.memory_space<vmem>>) semaphore(%arg22 : memref<!tpu.dma_semaphore, #tpu.memory_space<semaphore_mem>>)
    %dma_wait3A_191 = arith.constant 2 : i32
    %dma_wait3A_192 = arith.constant 0 : i32
    %dma_wait3A_193 = tpu.memref_slice %arg4[%mul3A_2, %dma_wait3A_192] : memref<128x128xi32, #tpu.memory_space<hbm>> -> memref<4x128xi32, #tpu.memory_space<hbm>>
    %dma_wait3A_194 = tpu.memref_slice %arg23[%dma_wait3A_191] : memref<3x!tpu.dma_semaphore, #tpu.memory_space<semaphore_mem>> -> memref<1x!tpu.dma_semaphore, #tpu.memory_space<semaphore_mem>>
    %dma_wait3A_195 = tpu.memref_squeeze %dma_wait3A_194 : memref<1x!tpu.dma_semaphore, #tpu.memory_space<semaphore_mem>> -> memref<!tpu.dma_semaphore, #tpu.memory_space<semaphore_mem>>
    %dma_wait3A_196 = arith.constant 0 : i32
    %dma_wait3A_197 = tpu.memref_slice %arg4[%mul3A_2, %dma_wait3A_196] : memref<128x128xi32, #tpu.memory_space<hbm>> -> memref<4x128xi32, #tpu.memory_space<hbm>>
    tpu.wait_dma2 semaphore(%dma_wait3A_195 : memref<!tpu.dma_semaphore, #tpu.memory_space<semaphore_mem>>) src(%dma_wait3A_197 : memref<4x128xi32, #tpu.memory_space<hbm>>) dst(%arg13 : memref<4x128xi32, #tpu.memory_space<vmem>>)
    %dma_wait3A_198 = arith.constant 0 : i32
    %dma_wait3A_199 = arith.constant 0 : i32
    %dma_wait3A_200 = arith.constant 0 : i32
    %dma_wait3A_201 = arith.constant 0 : i32
    %dma_wait3A_202 = arith.constant 0 : i32
    %dma_wait3A_203 = tpu.memref_slice %arg15[%dma_wait3A_199, %dma_wait3A_201, %dma_wait3A_202] : memref<3x128x128xf32, #tpu.memory_space<vmem>> -> memref<1x128x128xf32, #tpu.memory_space<vmem>>
    %dma_wait3A_204 = tpu.memref_squeeze %dma_wait3A_203 : memref<1x128x128xf32, #tpu.memory_space<vmem>> -> memref<128x128xf32, #tpu.memory_space<vmem>>
    %dma_wait3A_205 = arith.constant 0 : i32
    %dma_wait3A_206 = tpu.memref_slice %arg12[%dma_wait3A_198, %dma_wait3A_205] : memref<4x128xi32, #tpu.memory_space<vmem>> -> memref<1x128xi32, #tpu.memory_space<vmem>>
    %dma_wait3A_207 = tpu.memref_squeeze %dma_wait3A_206 : memref<1x128xi32, #tpu.memory_space<vmem>> -> memref<128xi32, #tpu.memory_space<vmem>>
    %dma_wait3A_208 = arith.constant 0 : i32
    %dma_wait3A_209 = arith.constant 0 : i32
    %dma_wait3A_210 = tpu.memref_slice %arg8[%dma_wait3A_208, %dma_wait3A_209] : memref<100000x128xf32, #tpu.memory_space<hbm>> -> memref<100000x128xf32, #tpu.memory_space<hbm>>
    %dma_wait3A_211 = tpu.memref_slice %arg20[%dma_wait3A_200] : memref<3x!tpu.dma_semaphore, #tpu.memory_space<semaphore_mem>> -> memref<1x!tpu.dma_semaphore, #tpu.memory_space<semaphore_mem>>
    %dma_wait3A_212 = tpu.memref_squeeze %dma_wait3A_211 : memref<1x!tpu.dma_semaphore, #tpu.memory_space<semaphore_mem>> -> memref<!tpu.dma_semaphore, #tpu.memory_space<semaphore_mem>>
    tpu.wait_indirect_dma semaphore(%dma_wait3A_212 : memref<!tpu.dma_semaphore, #tpu.memory_space<semaphore_mem>>) src(%dma_wait3A_210 : memref<100000x128xf32, #tpu.memory_space<hbm>>) dst(%dma_wait3A_204 : memref<128x128xf32, #tpu.memory_space<vmem>>)
    %dma_start3A_213 = arith.constant 0 : i32
    %dma_start3A_214 = arith.constant 0 : i32
    %dma_start3A_215 = arith.constant 0 : i32
    %dma_start3A_216 = arith.constant 0 : i32
    %dma_start3A_217 = arith.constant 0 : i32
    %dma_start3A_218 = tpu.memref_slice %arg15[%dma_start3A_214, %dma_start3A_216, %dma_start3A_217] : memref<3x128x128xf32, #tpu.memory_space<vmem>> -> memref<1x128x128xf32, #tpu.memory_space<vmem>>
    %dma_start3A_219 = tpu.memref_squeeze %dma_start3A_218 : memref<1x128x128xf32, #tpu.memory_space<vmem>> -> memref<128x128xf32, #tpu.memory_space<vmem>>
    %dma_start3A_220 = arith.constant 0 : i32
    %dma_start3A_221 = tpu.memref_slice %arg13[%dma_start3A_213, %dma_start3A_220] : memref<4x128xi32, #tpu.memory_space<vmem>> -> memref<1x128xi32, #tpu.memory_space<vmem>>
    %dma_start3A_222 = tpu.memref_squeeze %dma_start3A_221 : memref<1x128xi32, #tpu.memory_space<vmem>> -> memref<128xi32, #tpu.memory_space<vmem>>
    %dma_start3A_223 = arith.constant 0 : i32
    %dma_start3A_224 = arith.constant 0 : i32
    %dma_start3A_225 = tpu.memref_slice %arg9[%dma_start3A_223, %dma_start3A_224] : memref<1000x128xf32, #tpu.memory_space<hbm>> -> memref<1000x128xf32, #tpu.memory_space<hbm>>
    %dma_start3A_226 = tpu.memref_slice %arg21[%dma_start3A_215] : memref<3x!tpu.dma_semaphore, #tpu.memory_space<semaphore_mem>> -> memref<1x!tpu.dma_semaphore, #tpu.memory_space<semaphore_mem>>
    %dma_start3A_227 = tpu.memref_squeeze %dma_start3A_226 : memref<1x!tpu.dma_semaphore, #tpu.memory_space<semaphore_mem>> -> memref<!tpu.dma_semaphore, #tpu.memory_space<semaphore_mem>>
    tpu.enqueue_indirect_dma source(%dma_start3A_225 : memref<1000x128xf32, #tpu.memory_space<hbm>>) target(%dma_start3A_219 : memref<128x128xf32, #tpu.memory_space<vmem>>) offsets(%dma_start3A_222 : memref<128xi32, #tpu.memory_space<vmem>>) semaphore(%dma_start3A_227 : memref<!tpu.dma_semaphore, #tpu.memory_space<semaphore_mem>>) {add = true}
    %dma_wait3A_228 = arith.constant 1 : i32
    %dma_wait3A_229 = arith.constant 1 : i32
    %dma_wait3A_230 = arith.constant 1 : i32
    %dma_wait3A_231 = arith.constant 0 : i32
    %dma_wait3A_232 = arith.constant 0 : i32
    %dma_wait3A_233 = tpu.memref_slice %arg15[%dma_wait3A_229, %dma_wait3A_231, %dma_wait3A_232] : memref<3x128x128xf32, #tpu.memory_space<vmem>> -> memref<1x128x128xf32, #tpu.memory_space<vmem>>
    %dma_wait3A_234 = tpu.memref_squeeze %dma_wait3A_233 : memref<1x128x128xf32, #tpu.memory_space<vmem>> -> memref<128x128xf32, #tpu.memory_space<vmem>>
    %dma_wait3A_235 = arith.constant 0 : i32
    %dma_wait3A_236 = tpu.memref_slice %arg12[%dma_wait3A_228, %dma_wait3A_235] : memref<4x128xi32, #tpu.memory_space<vmem>> -> memref<1x128xi32, #tpu.memory_space<vmem>>
    %dma_wait3A_237 = tpu.memref_squeeze %dma_wait3A_236 : memref<1x128xi32, #tpu.memory_space<vmem>> -> memref<128xi32, #tpu.memory_space<vmem>>
    %dma_wait3A_238 = arith.constant 0 : i32
    %dma_wait3A_239 = arith.constant 0 : i32
    %dma_wait3A_240 = tpu.memref_slice %arg8[%dma_wait3A_238, %dma_wait3A_239] : memref<100000x128xf32, #tpu.memory_space<hbm>> -> memref<100000x128xf32, #tpu.memory_space<hbm>>
    %dma_wait3A_241 = tpu.memref_slice %arg20[%dma_wait3A_230] : memref<3x!tpu.dma_semaphore, #tpu.memory_space<semaphore_mem>> -> memref<1x!tpu.dma_semaphore, #tpu.memory_space<semaphore_mem>>
    %dma_wait3A_242 = tpu.memref_squeeze %dma_wait3A_241 : memref<1x!tpu.dma_semaphore, #tpu.memory_space<semaphore_mem>> -> memref<!tpu.dma_semaphore, #tpu.memory_space<semaphore_mem>>
    tpu.wait_indirect_dma semaphore(%dma_wait3A_242 : memref<!tpu.dma_semaphore, #tpu.memory_space<semaphore_mem>>) src(%dma_wait3A_240 : memref<100000x128xf32, #tpu.memory_space<hbm>>) dst(%dma_wait3A_234 : memref<128x128xf32, #tpu.memory_space<vmem>>)
    %dma_start3A_243 = arith.constant 1 : i32
    %dma_start3A_244 = arith.constant 1 : i32
    %dma_start3A_245 = arith.constant 1 : i32
    %dma_start3A_246 = arith.constant 0 : i32
    %dma_start3A_247 = arith.constant 0 : i32
    %dma_start3A_248 = tpu.memref_slice %arg15[%dma_start3A_244, %dma_start3A_246, %dma_start3A_247] : memref<3x128x128xf32, #tpu.memory_space<vmem>> -> memref<1x128x128xf32, #tpu.memory_space<vmem>>
    %dma_start3A_249 = tpu.memref_squeeze %dma_start3A_248 : memref<1x128x128xf32, #tpu.memory_space<vmem>> -> memref<128x128xf32, #tpu.memory_space<vmem>>
    %dma_start3A_250 = arith.constant 0 : i32
    %dma_start3A_251 = tpu.memref_slice %arg13[%dma_start3A_243, %dma_start3A_250] : memref<4x128xi32, #tpu.memory_space<vmem>> -> memref<1x128xi32, #tpu.memory_space<vmem>>
    %dma_start3A_252 = tpu.memref_squeeze %dma_start3A_251 : memref<1x128xi32, #tpu.memory_space<vmem>> -> memref<128xi32, #tpu.memory_space<vmem>>
    %dma_start3A_253 = arith.constant 0 : i32
    %dma_start3A_254 = arith.constant 0 : i32
    %dma_start3A_255 = tpu.memref_slice %arg9[%dma_start3A_253, %dma_start3A_254] : memref<1000x128xf32, #tpu.memory_space<hbm>> -> memref<1000x128xf32, #tpu.memory_space<hbm>>
    %dma_start3A_256 = tpu.memref_slice %arg21[%dma_start3A_245] : memref<3x!tpu.dma_semaphore, #tpu.memory_space<semaphore_mem>> -> memref<1x!tpu.dma_semaphore, #tpu.memory_space<semaphore_mem>>
    %dma_start3A_257 = tpu.memref_squeeze %dma_start3A_256 : memref<1x!tpu.dma_semaphore, #tpu.memory_space<semaphore_mem>> -> memref<!tpu.dma_semaphore, #tpu.memory_space<semaphore_mem>>
    tpu.enqueue_indirect_dma source(%dma_start3A_255 : memref<1000x128xf32, #tpu.memory_space<hbm>>) target(%dma_start3A_249 : memref<128x128xf32, #tpu.memory_space<vmem>>) offsets(%dma_start3A_252 : memref<128xi32, #tpu.memory_space<vmem>>) semaphore(%dma_start3A_257 : memref<!tpu.dma_semaphore, #tpu.memory_space<semaphore_mem>>) {add = true}
    %dma_wait3A_258 = arith.constant 0 : i32
    %dma_wait3A_259 = arith.constant 0 : i32
    %dma_wait3A_260 = arith.constant 0 : i32
    %dma_wait3A_261 = arith.constant 0 : i32
    %dma_wait3A_262 = arith.constant 0 : i32
    %dma_wait3A_263 = tpu.memref_slice %arg14[%dma_wait3A_259, %dma_wait3A_261, %dma_wait3A_262] : memref<2x128x128xf32, #tpu.memory_space<vmem>> -> memref<1x128x128xf32, #tpu.memory_space<vmem>>
    %dma_wait3A_264 = tpu.memref_squeeze %dma_wait3A_263 : memref<1x128x128xf32, #tpu.memory_space<vmem>> -> memref<128x128xf32, #tpu.memory_space<vmem>>
    %dma_wait3A_265 = arith.constant 0 : i32
    %dma_wait3A_266 = tpu.memref_slice %arg11[%dma_wait3A_258, %dma_wait3A_265] : memref<4x128xi32, #tpu.memory_space<vmem>> -> memref<1x128xi32, #tpu.memory_space<vmem>>
    %dma_wait3A_267 = tpu.memref_squeeze %dma_wait3A_266 : memref<1x128xi32, #tpu.memory_space<vmem>> -> memref<128xi32, #tpu.memory_space<vmem>>
    %dma_wait3A_268 = arith.constant 0 : i32
    %dma_wait3A_269 = arith.constant 0 : i32
    %dma_wait3A_270 = tpu.memref_slice %arg7[%dma_wait3A_268, %dma_wait3A_269] : memref<100000x128xf32, #tpu.memory_space<hbm>> -> memref<100000x128xf32, #tpu.memory_space<hbm>>
    %dma_wait3A_271 = tpu.memref_slice %arg19[%dma_wait3A_260] : memref<2x!tpu.dma_semaphore, #tpu.memory_space<semaphore_mem>> -> memref<1x!tpu.dma_semaphore, #tpu.memory_space<semaphore_mem>>
    %dma_wait3A_272 = tpu.memref_squeeze %dma_wait3A_271 : memref<1x!tpu.dma_semaphore, #tpu.memory_space<semaphore_mem>> -> memref<!tpu.dma_semaphore, #tpu.memory_space<semaphore_mem>>
    tpu.wait_indirect_dma semaphore(%dma_wait3A_272 : memref<!tpu.dma_semaphore, #tpu.memory_space<semaphore_mem>>) src(%dma_wait3A_270 : memref<100000x128xf32, #tpu.memory_space<hbm>>) dst(%dma_wait3A_264 : memref<128x128xf32, #tpu.memory_space<vmem>>)
    %dma_wait3A_273 = arith.constant 0 : i32
    %dma_wait3A_274 = arith.constant 0 : i32
    %dma_wait3A_275 = arith.constant 0 : i32
    %dma_wait3A_276 = arith.constant 0 : i32
    %dma_wait3A_277 = arith.constant 0 : i32
    %dma_wait3A_278 = tpu.memref_slice %arg15[%dma_wait3A_274, %dma_wait3A_276, %dma_wait3A_277] : memref<3x128x128xf32, #tpu.memory_space<vmem>> -> memref<1x128x128xf32, #tpu.memory_space<vmem>>
    %dma_wait3A_279 = tpu.memref_squeeze %dma_wait3A_278 : memref<1x128x128xf32, #tpu.memory_space<vmem>> -> memref<128x128xf32, #tpu.memory_space<vmem>>
    %dma_wait3A_280 = arith.constant 0 : i32
    %dma_wait3A_281 = tpu.memref_slice %arg13[%dma_wait3A_273, %dma_wait3A_280] : memref<4x128xi32, #tpu.memory_space<vmem>> -> memref<1x128xi32, #tpu.memory_space<vmem>>
    %dma_wait3A_282 = tpu.memref_squeeze %dma_wait3A_281 : memref<1x128xi32, #tpu.memory_space<vmem>> -> memref<128xi32, #tpu.memory_space<vmem>>
    %dma_wait3A_283 = arith.constant 0 : i32
    %dma_wait3A_284 = arith.constant 0 : i32
    %dma_wait3A_285 = tpu.memref_slice %arg9[%dma_wait3A_283, %dma_wait3A_284] : memref<1000x128xf32, #tpu.memory_space<hbm>> -> memref<1000x128xf32, #tpu.memory_space<hbm>>
    %dma_wait3A_286 = tpu.memref_slice %arg21[%dma_wait3A_275] : memref<3x!tpu.dma_semaphore, #tpu.memory_space<semaphore_mem>> -> memref<1x!tpu.dma_semaphore, #tpu.memory_space<semaphore_mem>>
    %dma_wait3A_287 = tpu.memref_squeeze %dma_wait3A_286 : memref<1x!tpu.dma_semaphore, #tpu.memory_space<semaphore_mem>> -> memref<!tpu.dma_semaphore, #tpu.memory_space<semaphore_mem>>
    tpu.wait_indirect_dma semaphore(%dma_wait3A_287 : memref<!tpu.dma_semaphore, #tpu.memory_space<semaphore_mem>>) src(%dma_wait3A_285 : memref<1000x128xf32, #tpu.memory_space<hbm>>) dst(%dma_wait3A_279 : memref<128x128xf32, #tpu.memory_space<vmem>>)
    %dma_wait3A_288 = arith.constant 0 : i32
    %dma_wait3A_289 = arith.constant 0 : i32
    %dma_wait3A_290 = arith.constant 0 : i32
    %dma_wait3A_291 = tpu.memref_slice %arg16[%dma_wait3A_289, %dma_wait3A_290] : memref<4x128xf32, #tpu.memory_space<vmem>> -> memref<1x128xf32, #tpu.memory_space<vmem>>
    %dma_wait3A_292 = tpu.memref_squeeze %dma_wait3A_291 : memref<1x128xf32, #tpu.memory_space<vmem>> -> memref<128xf32, #tpu.memory_space<vmem>>
    %dma_wait3A_293 = arith.constant 0 : i32
    %dma_wait3A_294 = tpu.memref_slice %arg11[%dma_wait3A_288, %dma_wait3A_293] : memref<4x128xi32, #tpu.memory_space<vmem>> -> memref<1x128xi32, #tpu.memory_space<vmem>>
    %dma_wait3A_295 = tpu.memref_squeeze %dma_wait3A_294 : memref<1x128xi32, #tpu.memory_space<vmem>> -> memref<128xi32, #tpu.memory_space<vmem>>
    %dma_wait3A_296 = arith.constant 0 : i32
    %dma_wait3A_297 = tpu.memref_slice %arg5[%dma_wait3A_296] : memref<100000xf32, #tpu.memory_space<hbm>> -> memref<100000xf32, #tpu.memory_space<hbm>>
    tpu.wait_indirect_dma semaphore(%arg22 : memref<!tpu.dma_semaphore, #tpu.memory_space<semaphore_mem>>) src(%dma_wait3A_297 : memref<100000xf32, #tpu.memory_space<hbm>>) dst(%dma_wait3A_292 : memref<128xf32, #tpu.memory_space<vmem>>)
    %dma_wait3A_298 = arith.constant 0 : i32
    %dma_wait3A_299 = arith.constant 0 : i32
    %dma_wait3A_300 = arith.constant 0 : i32
    %dma_wait3A_301 = tpu.memref_slice %arg17[%dma_wait3A_299, %dma_wait3A_300] : memref<4x128xf32, #tpu.memory_space<vmem>> -> memref<1x128xf32, #tpu.memory_space<vmem>>
    %dma_wait3A_302 = tpu.memref_squeeze %dma_wait3A_301 : memref<1x128xf32, #tpu.memory_space<vmem>> -> memref<128xf32, #tpu.memory_space<vmem>>
    %dma_wait3A_303 = arith.constant 0 : i32
    %dma_wait3A_304 = tpu.memref_slice %arg12[%dma_wait3A_298, %dma_wait3A_303] : memref<4x128xi32, #tpu.memory_space<vmem>> -> memref<1x128xi32, #tpu.memory_space<vmem>>
    %dma_wait3A_305 = tpu.memref_squeeze %dma_wait3A_304 : memref<1x128xi32, #tpu.memory_space<vmem>> -> memref<128xi32, #tpu.memory_space<vmem>>
    %dma_wait3A_306 = arith.constant 0 : i32
    %dma_wait3A_307 = tpu.memref_slice %arg6[%dma_wait3A_306] : memref<100000xf32, #tpu.memory_space<hbm>> -> memref<100000xf32, #tpu.memory_space<hbm>>
    tpu.wait_indirect_dma semaphore(%arg22 : memref<!tpu.dma_semaphore, #tpu.memory_space<semaphore_mem>>) src(%dma_wait3A_307 : memref<100000xf32, #tpu.memory_space<hbm>>) dst(%dma_wait3A_302 : memref<128xf32, #tpu.memory_space<vmem>>)
    %scan3A = arith.constant 0 : i32
    %scan3A_308 = arith.constant 0 : i32
    %scan3A_309 = arith.constant 8 : i32
    %scan3A_310 = arith.addi %scan3A_308, %scan3A_309 : i32
    %scan3A_311 = arith.constant 1 : i32
    scf.for %scan3A_594 = %scan3A_308 to %scan3A_310 step %scan3A_311  : i32 {
      %iota3A = tpu.iota {dimensions = array<i32: 0>} : vector<16xi32>
      %broadcast_in_dim3A = arith.constant 0.000000e+00 : f32
      %broadcast_in_dim3A_595 = vector.broadcast %broadcast_in_dim3A : f32 to vector<16xf32>
      %scan3A_596 = arith.constant 0 : i32
      %scan3A_597 = arith.constant 16 : i32
      %scan3A_598 = arith.addi %scan3A_596, %scan3A_597 : i32
      %scan3A_599 = arith.constant 1 : i32
      %scan3A_600 = scf.for %scan3A_620 = %scan3A_596 to %scan3A_598 step %scan3A_599 iter_args(%scan3A_621 = %broadcast_in_dim3A_595) -> (vector<16xf32>)  : i32 {
        %mul3A_622 = arith.constant 16 : i32
        %mul3A_623 = arith.muli %scan3A_594, %mul3A_622 : i32
        %add3A_624 = arith.addi %mul3A_623, %scan3A_620 : i32
        %get3A_625 = arith.constant 0 : i32
        %get3A_626 = arith.index_cast %get3A_625 : i32 to index
        %get3A_627 = arith.index_cast %add3A_624 : i32 to index
        %get3A_628 = arith.constant 0 : index
        %get3A_629 = tpu.vector_load %arg14[%get3A_626, %get3A_627, %get3A_628] {strides = array<i32>} : memref<2x128x128xf32, #tpu.memory_space<vmem>>, vector<16xf32>,
        %get3A_630 = arith.constant 0 : i32
        %get3A_631 = arith.index_cast %get3A_630 : i32 to index
        %get3A_632 = arith.index_cast %add3A_624 : i32 to index
        %get3A_633 = arith.constant 0 : index
        %get3A_634 = tpu.vector_load %arg15[%get3A_631, %get3A_632, %get3A_633] {strides = array<i32>} : memref<3x128x128xf32, #tpu.memory_space<vmem>>, vector<16xf32>,
        %mul3A_635 = arith.mulf %get3A_629, %get3A_634 : vector<16xf32>
        %get3A_636 = arith.constant 0 : i32
        %get3A_637 = arith.index_cast %get3A_636 : i32 to index
        %get3A_638 = arith.index_cast %add3A_624 : i32 to index
        %get3A_639 = arith.constant 16 : index
        %get3A_640 = tpu.vector_load %arg14[%get3A_637, %get3A_638, %get3A_639] {strides = array<i32>} : memref<2x128x128xf32, #tpu.memory_space<vmem>>, vector<16xf32>,
        %get3A_641 = arith.constant 0 : i32
        %get3A_642 = arith.index_cast %get3A_641 : i32 to index
        %get3A_643 = arith.index_cast %add3A_624 : i32 to index
        %get3A_644 = arith.constant 16 : index
        %get3A_645 = tpu.vector_load %arg15[%get3A_642, %get3A_643, %get3A_644] {strides = array<i32>} : memref<3x128x128xf32, #tpu.memory_space<vmem>>, vector<16xf32>,
        %mul3A_646 = arith.mulf %get3A_640, %get3A_645 : vector<16xf32>
        %get3A_647 = arith.constant 0 : i32
        %get3A_648 = arith.index_cast %get3A_647 : i32 to index
        %get3A_649 = arith.index_cast %add3A_624 : i32 to index
        %get3A_650 = arith.constant 32 : index
        %get3A_651 = tpu.vector_load %arg14[%get3A_648, %get3A_649, %get3A_650] {strides = array<i32>} : memref<2x128x128xf32, #tpu.memory_space<vmem>>, vector<16xf32>,
        %get3A_652 = arith.constant 0 : i32
        %get3A_653 = arith.index_cast %get3A_652 : i32 to index
        %get3A_654 = arith.index_cast %add3A_624 : i32 to index
        %get3A_655 = arith.constant 32 : index
        %get3A_656 = tpu.vector_load %arg15[%get3A_653, %get3A_654, %get3A_655] {strides = array<i32>} : memref<3x128x128xf32, #tpu.memory_space<vmem>>, vector<16xf32>,
        %mul3A_657 = arith.mulf %get3A_651, %get3A_656 : vector<16xf32>
        %add3A_658 = arith.addf %mul3A_635, %mul3A_657 : vector<16xf32>
        %get3A_659 = arith.constant 0 : i32
        %get3A_660 = arith.index_cast %get3A_659 : i32 to index
        %get3A_661 = arith.index_cast %add3A_624 : i32 to index
        %get3A_662 = arith.constant 48 : index
        %get3A_663 = tpu.vector_load %arg14[%get3A_660, %get3A_661, %get3A_662] {strides = array<i32>} : memref<2x128x128xf32, #tpu.memory_space<vmem>>, vector<16xf32>,
        %get3A_664 = arith.constant 0 : i32
        %get3A_665 = arith.index_cast %get3A_664 : i32 to index
        %get3A_666 = arith.index_cast %add3A_624 : i32 to index
        %get3A_667 = arith.constant 48 : index
        %get3A_668 = tpu.vector_load %arg15[%get3A_665, %get3A_666, %get3A_667] {strides = array<i32>} : memref<3x128x128xf32, #tpu.memory_space<vmem>>, vector<16xf32>,
        %mul3A_669 = arith.mulf %get3A_663, %get3A_668 : vector<16xf32>
        %add3A_670 = arith.addf %mul3A_646, %mul3A_669 : vector<16xf32>
        %get3A_671 = arith.constant 0 : i32
        %get3A_672 = arith.index_cast %get3A_671 : i32 to index
        %get3A_673 = arith.index_cast %add3A_624 : i32 to index
        %get3A_674 = arith.constant 64 : index
        %get3A_675 = tpu.vector_load %arg14[%get3A_672, %get3A_673, %get3A_674] {strides = array<i32>} : memref<2x128x128xf32, #tpu.memory_space<vmem>>, vector<16xf32>,
        %get3A_676 = arith.constant 0 : i32
        %get3A_677 = arith.index_cast %get3A_676 : i32 to index
        %get3A_678 = arith.index_cast %add3A_624 : i32 to index
        %get3A_679 = arith.constant 64 : index
        %get3A_680 = tpu.vector_load %arg15[%get3A_677, %get3A_678, %get3A_679] {strides = array<i32>} : memref<3x128x128xf32, #tpu.memory_space<vmem>>, vector<16xf32>,
        %mul3A_681 = arith.mulf %get3A_675, %get3A_680 : vector<16xf32>
        %add3A_682 = arith.addf %add3A_658, %mul3A_681 : vector<16xf32>
        %get3A_683 = arith.constant 0 : i32
        %get3A_684 = arith.index_cast %get3A_683 : i32 to index
        %get3A_685 = arith.index_cast %add3A_624 : i32 to index
        %get3A_686 = arith.constant 80 : index
        %get3A_687 = tpu.vector_load %arg14[%get3A_684, %get3A_685, %get3A_686] {strides = array<i32>} : memref<2x128x128xf32, #tpu.memory_space<vmem>>, vector<16xf32>,
        %get3A_688 = arith.constant 0 : i32
        %get3A_689 = arith.index_cast %get3A_688 : i32 to index
        %get3A_690 = arith.index_cast %add3A_624 : i32 to index
        %get3A_691 = arith.constant 80 : index
        %get3A_692 = tpu.vector_load %arg15[%get3A_689, %get3A_690, %get3A_691] {strides = array<i32>} : memref<3x128x128xf32, #tpu.memory_space<vmem>>, vector<16xf32>,
        %mul3A_693 = arith.mulf %get3A_687, %get3A_692 : vector<16xf32>
        %add3A_694 = arith.addf %add3A_670, %mul3A_693 : vector<16xf32>
        %get3A_695 = arith.constant 0 : i32
        %get3A_696 = arith.index_cast %get3A_695 : i32 to index
        %get3A_697 = arith.index_cast %add3A_624 : i32 to index
        %get3A_698 = arith.constant 96 : index
        %get3A_699 = tpu.vector_load %arg14[%get3A_696, %get3A_697, %get3A_698] {strides = array<i32>} : memref<2x128x128xf32, #tpu.memory_space<vmem>>, vector<16xf32>,
        %get3A_700 = arith.constant 0 : i32
        %get3A_701 = arith.index_cast %get3A_700 : i32 to index
        %get3A_702 = arith.index_cast %add3A_624 : i32 to index
        %get3A_703 = arith.constant 96 : index
        %get3A_704 = tpu.vector_load %arg15[%get3A_701, %get3A_702, %get3A_703] {strides = array<i32>} : memref<3x128x128xf32, #tpu.memory_space<vmem>>, vector<16xf32>,
        %mul3A_705 = arith.mulf %get3A_699, %get3A_704 : vector<16xf32>
        %add3A_706 = arith.addf %add3A_682, %mul3A_705 : vector<16xf32>
        %get3A_707 = arith.constant 0 : i32
        %get3A_708 = arith.index_cast %get3A_707 : i32 to index
        %get3A_709 = arith.index_cast %add3A_624 : i32 to index
        %get3A_710 = arith.constant 112 : index
        %get3A_711 = tpu.vector_load %arg14[%get3A_708, %get3A_709, %get3A_710] {strides = array<i32>} : memref<2x128x128xf32, #tpu.memory_space<vmem>>, vector<16xf32>,
        %get3A_712 = arith.constant 0 : i32
        %get3A_713 = arith.index_cast %get3A_712 : i32 to index
        %get3A_714 = arith.index_cast %add3A_624 : i32 to index
        %get3A_715 = arith.constant 112 : index
        %get3A_716 = tpu.vector_load %arg15[%get3A_713, %get3A_714, %get3A_715] {strides = array<i32>} : memref<3x128x128xf32, #tpu.memory_space<vmem>>, vector<16xf32>,
        %mul3A_717 = arith.mulf %get3A_711, %get3A_716 : vector<16xf32>
        %add3A_718 = arith.addf %add3A_694, %mul3A_717 : vector<16xf32>
        %eq3A = vector.broadcast %scan3A_620 : i32 to vector<16xi32>
        %eq3A_719 = arith.cmpi eq, %iota3A, %eq3A : vector<16xi32>
        %add3A_720 = arith.addf %add3A_706, %add3A_718 : vector<16xf32>
        %reduce_sum3A = arith.constant true
        %reduce_sum3A_721 = vector.broadcast %reduce_sum3A : i1 to vector<16xi1>
        %reduce_sum3A_722 = tpu.scan <sum>, %add3A_720 masked %reduce_sum3A_721 : vector<16xf32>, vector<16xi1> -> vector<16xf32>
        %reduce_sum3A_723 = vector.extract %reduce_sum3A_722[15] : f32 from vector<16xf32>
        %broadcast_in_dim3A_724 = vector.broadcast %reduce_sum3A_723 : f32 to vector<16xf32>
        %select_n3A = arith.select %eq3A_719, %broadcast_in_dim3A_724, %scan3A_621 : vector<16xi1>, vector<16xf32>
        scf.yield %select_n3A : vector<16xf32>
      }
      %scan3A_601 = arith.constant 16 : i32
      %mul3A_602 = arith.constant 16 : i32
      %mul3A_603 = arith.muli %scan3A_594, %mul3A_602 : i32
      %get3A = arith.constant 0 : i32
      %get3A_604 = arith.index_cast %get3A : i32 to index
      %get3A_605 = arith.index_cast %mul3A_603 : i32 to index
      %get3A_606 = tpu.vector_load %arg16[%get3A_604, %get3A_605] {strides = array<i32>} : memref<4x128xf32, #tpu.memory_space<vmem>>, vector<16xf32>,
      %add3A_607 = arith.addf %scan3A_600, %get3A_606 : vector<16xf32>
      %mul3A_608 = arith.constant 16 : i32
      %mul3A_609 = arith.muli %scan3A_594, %mul3A_608 : i32
      %get3A_610 = arith.constant 0 : i32
      %get3A_611 = arith.index_cast %get3A_610 : i32 to index
      %get3A_612 = arith.index_cast %mul3A_609 : i32 to index
      %get3A_613 = tpu.vector_load %arg17[%get3A_611, %get3A_612] {strides = array<i32>} : memref<4x128xf32, #tpu.memory_space<vmem>>, vector<16xf32>,
      %add3A_614 = arith.addf %add3A_607, %get3A_613 : vector<16xf32>
      %mul3A_615 = arith.constant 16 : i32
      %mul3A_616 = arith.muli %scan3A_594, %mul3A_615 : i32
      %swap3A = arith.constant 0 : i32
      %swap3A_617 = arith.index_cast %swap3A : i32 to index
      %swap3A_618 = arith.index_cast %mul3A_616 : i32 to index
      %swap3A_619 = tpu.vector_load %arg18[%swap3A_617, %swap3A_618] {strides = array<i32>} : memref<4x128xf32, #tpu.memory_space<vmem>>, vector<16xf32>,
      tpu.vector_store %arg18[%swap3A_617, %swap3A_618], %add3A_614 {strides = array<i32>} : memref<4x128xf32, #tpu.memory_space<vmem>>, vector<16xf32>,
    }
    %scan3A_312 = arith.constant 8 : i32
    %dma_start3A_313 = arith.constant 2 : i32
    %dma_start3A_314 = arith.constant 0 : i32
    %dma_start3A_315 = arith.constant 0 : i32
    %dma_start3A_316 = arith.constant 0 : i32
    %dma_start3A_317 = arith.constant 0 : i32
    %dma_start3A_318 = tpu.memref_slice %arg14[%dma_start3A_314, %dma_start3A_316, %dma_start3A_317] : memref<2x128x128xf32, #tpu.memory_space<vmem>> -> memref<1x128x128xf32, #tpu.memory_space<vmem>>
    %dma_start3A_319 = tpu.memref_squeeze %dma_start3A_318 : memref<1x128x128xf32, #tpu.memory_space<vmem>> -> memref<128x128xf32, #tpu.memory_space<vmem>>
    %dma_start3A_320 = arith.constant 0 : i32
    %dma_start3A_321 = tpu.memref_slice %arg11[%dma_start3A_313, %dma_start3A_320] : memref<4x128xi32, #tpu.memory_space<vmem>> -> memref<1x128xi32, #tpu.memory_space<vmem>>
    %dma_start3A_322 = tpu.memref_squeeze %dma_start3A_321 : memref<1x128xi32, #tpu.memory_space<vmem>> -> memref<128xi32, #tpu.memory_space<vmem>>
    %dma_start3A_323 = arith.constant 0 : i32
    %dma_start3A_324 = arith.constant 0 : i32
    %dma_start3A_325 = tpu.memref_slice %arg7[%dma_start3A_323, %dma_start3A_324] : memref<100000x128xf32, #tpu.memory_space<hbm>> -> memref<100000x128xf32, #tpu.memory_space<hbm>>
    %dma_start3A_326 = tpu.memref_slice %arg19[%dma_start3A_315] : memref<2x!tpu.dma_semaphore, #tpu.memory_space<semaphore_mem>> -> memref<1x!tpu.dma_semaphore, #tpu.memory_space<semaphore_mem>>
    %dma_start3A_327 = tpu.memref_squeeze %dma_start3A_326 : memref<1x!tpu.dma_semaphore, #tpu.memory_space<semaphore_mem>> -> memref<!tpu.dma_semaphore, #tpu.memory_space<semaphore_mem>>
    tpu.enqueue_indirect_dma source(%dma_start3A_325 : memref<100000x128xf32, #tpu.memory_space<hbm>>) target(%dma_start3A_319 : memref<128x128xf32, #tpu.memory_space<vmem>>) offsets(%dma_start3A_322 : memref<128xi32, #tpu.memory_space<vmem>>) semaphore(%dma_start3A_327 : memref<!tpu.dma_semaphore, #tpu.memory_space<semaphore_mem>>)
    %dma_start3A_328 = arith.constant 3 : i32
    %dma_start3A_329 = arith.constant 0 : i32
    %dma_start3A_330 = arith.constant 0 : i32
    %dma_start3A_331 = arith.constant 0 : i32
    %dma_start3A_332 = arith.constant 0 : i32
    %dma_start3A_333 = tpu.memref_slice %arg15[%dma_start3A_329, %dma_start3A_331, %dma_start3A_332] : memref<3x128x128xf32, #tpu.memory_space<vmem>> -> memref<1x128x128xf32, #tpu.memory_space<vmem>>
    %dma_start3A_334 = tpu.memref_squeeze %dma_start3A_333 : memref<1x128x128xf32, #tpu.memory_space<vmem>> -> memref<128x128xf32, #tpu.memory_space<vmem>>
    %dma_start3A_335 = arith.constant 0 : i32
    %dma_start3A_336 = tpu.memref_slice %arg12[%dma_start3A_328, %dma_start3A_335] : memref<4x128xi32, #tpu.memory_space<vmem>> -> memref<1x128xi32, #tpu.memory_space<vmem>>
    %dma_start3A_337 = tpu.memref_squeeze %dma_start3A_336 : memref<1x128xi32, #tpu.memory_space<vmem>> -> memref<128xi32, #tpu.memory_space<vmem>>
    %dma_start3A_338 = arith.constant 0 : i32
    %dma_start3A_339 = arith.constant 0 : i32
    %dma_start3A_340 = tpu.memref_slice %arg8[%dma_start3A_338, %dma_start3A_339] : memref<100000x128xf32, #tpu.memory_space<hbm>> -> memref<100000x128xf32, #tpu.memory_space<hbm>>
    %dma_start3A_341 = tpu.memref_slice %arg20[%dma_start3A_330] : memref<3x!tpu.dma_semaphore, #tpu.memory_space<semaphore_mem>> -> memref<1x!tpu.dma_semaphore, #tpu.memory_space<semaphore_mem>>
    %dma_start3A_342 = tpu.memref_squeeze %dma_start3A_341 : memref<1x!tpu.dma_semaphore, #tpu.memory_space<semaphore_mem>> -> memref<!tpu.dma_semaphore, #tpu.memory_space<semaphore_mem>>
    tpu.enqueue_indirect_dma source(%dma_start3A_340 : memref<100000x128xf32, #tpu.memory_space<hbm>>) target(%dma_start3A_334 : memref<128x128xf32, #tpu.memory_space<vmem>>) offsets(%dma_start3A_337 : memref<128xi32, #tpu.memory_space<vmem>>) semaphore(%dma_start3A_342 : memref<!tpu.dma_semaphore, #tpu.memory_space<semaphore_mem>>)
    %dma_wait3A_343 = arith.constant 2 : i32
    %dma_wait3A_344 = arith.constant 2 : i32
    %dma_wait3A_345 = arith.constant 2 : i32
    %dma_wait3A_346 = arith.constant 0 : i32
    %dma_wait3A_347 = arith.constant 0 : i32
    %dma_wait3A_348 = tpu.memref_slice %arg15[%dma_wait3A_344, %dma_wait3A_346, %dma_wait3A_347] : memref<3x128x128xf32, #tpu.memory_space<vmem>> -> memref<1x128x128xf32, #tpu.memory_space<vmem>>
    %dma_wait3A_349 = tpu.memref_squeeze %dma_wait3A_348 : memref<1x128x128xf32, #tpu.memory_space<vmem>> -> memref<128x128xf32, #tpu.memory_space<vmem>>
    %dma_wait3A_350 = arith.constant 0 : i32
    %dma_wait3A_351 = tpu.memref_slice %arg12[%dma_wait3A_343, %dma_wait3A_350] : memref<4x128xi32, #tpu.memory_space<vmem>> -> memref<1x128xi32, #tpu.memory_space<vmem>>
    %dma_wait3A_352 = tpu.memref_squeeze %dma_wait3A_351 : memref<1x128xi32, #tpu.memory_space<vmem>> -> memref<128xi32, #tpu.memory_space<vmem>>
    %dma_wait3A_353 = arith.constant 0 : i32
    %dma_wait3A_354 = arith.constant 0 : i32
    %dma_wait3A_355 = tpu.memref_slice %arg8[%dma_wait3A_353, %dma_wait3A_354] : memref<100000x128xf32, #tpu.memory_space<hbm>> -> memref<100000x128xf32, #tpu.memory_space<hbm>>
    %dma_wait3A_356 = tpu.memref_slice %arg20[%dma_wait3A_345] : memref<3x!tpu.dma_semaphore, #tpu.memory_space<semaphore_mem>> -> memref<1x!tpu.dma_semaphore, #tpu.memory_space<semaphore_mem>>
    %dma_wait3A_357 = tpu.memref_squeeze %dma_wait3A_356 : memref<1x!tpu.dma_semaphore, #tpu.memory_space<semaphore_mem>> -> memref<!tpu.dma_semaphore, #tpu.memory_space<semaphore_mem>>
    tpu.wait_indirect_dma semaphore(%dma_wait3A_357 : memref<!tpu.dma_semaphore, #tpu.memory_space<semaphore_mem>>) src(%dma_wait3A_355 : memref<100000x128xf32, #tpu.memory_space<hbm>>) dst(%dma_wait3A_349 : memref<128x128xf32, #tpu.memory_space<vmem>>)
    %dma_start3A_358 = arith.constant 2 : i32
    %dma_start3A_359 = arith.constant 2 : i32
    %dma_start3A_360 = arith.constant 2 : i32
    %dma_start3A_361 = arith.constant 0 : i32
    %dma_start3A_362 = arith.constant 0 : i32
    %dma_start3A_363 = tpu.memref_slice %arg15[%dma_start3A_359, %dma_start3A_361, %dma_start3A_362] : memref<3x128x128xf32, #tpu.memory_space<vmem>> -> memref<1x128x128xf32, #tpu.memory_space<vmem>>
    %dma_start3A_364 = tpu.memref_squeeze %dma_start3A_363 : memref<1x128x128xf32, #tpu.memory_space<vmem>> -> memref<128x128xf32, #tpu.memory_space<vmem>>
    %dma_start3A_365 = arith.constant 0 : i32
    %dma_start3A_366 = tpu.memref_slice %arg13[%dma_start3A_358, %dma_start3A_365] : memref<4x128xi32, #tpu.memory_space<vmem>> -> memref<1x128xi32, #tpu.memory_space<vmem>>
    %dma_start3A_367 = tpu.memref_squeeze %dma_start3A_366 : memref<1x128xi32, #tpu.memory_space<vmem>> -> memref<128xi32, #tpu.memory_space<vmem>>
    %dma_start3A_368 = arith.constant 0 : i32
    %dma_start3A_369 = arith.constant 0 : i32
    %dma_start3A_370 = tpu.memref_slice %arg9[%dma_start3A_368, %dma_start3A_369] : memref<1000x128xf32, #tpu.memory_space<hbm>> -> memref<1000x128xf32, #tpu.memory_space<hbm>>
    %dma_start3A_371 = tpu.memref_slice %arg21[%dma_start3A_360] : memref<3x!tpu.dma_semaphore, #tpu.memory_space<semaphore_mem>> -> memref<1x!tpu.dma_semaphore, #tpu.memory_space<semaphore_mem>>
    %dma_start3A_372 = tpu.memref_squeeze %dma_start3A_371 : memref<1x!tpu.dma_semaphore, #tpu.memory_space<semaphore_mem>> -> memref<!tpu.dma_semaphore, #tpu.memory_space<semaphore_mem>>
    tpu.enqueue_indirect_dma source(%dma_start3A_370 : memref<1000x128xf32, #tpu.memory_space<hbm>>) target(%dma_start3A_364 : memref<128x128xf32, #tpu.memory_space<vmem>>) offsets(%dma_start3A_367 : memref<128xi32, #tpu.memory_space<vmem>>) semaphore(%dma_start3A_372 : memref<!tpu.dma_semaphore, #tpu.memory_space<semaphore_mem>>) {add = true}
    %dma_wait3A_373 = arith.constant 1 : i32
    %dma_wait3A_374 = arith.constant 1 : i32
    %dma_wait3A_375 = arith.constant 1 : i32
    %dma_wait3A_376 = arith.constant 0 : i32
    %dma_wait3A_377 = arith.constant 0 : i32
    %dma_wait3A_378 = tpu.memref_slice %arg14[%dma_wait3A_374, %dma_wait3A_376, %dma_wait3A_377] : memref<2x128x128xf32, #tpu.memory_space<vmem>> -> memref<1x128x128xf32, #tpu.memory_space<vmem>>
    %dma_wait3A_379 = tpu.memref_squeeze %dma_wait3A_378 : memref<1x128x128xf32, #tpu.memory_space<vmem>> -> memref<128x128xf32, #tpu.memory_space<vmem>>
    %dma_wait3A_380 = arith.constant 0 : i32
    %dma_wait3A_381 = tpu.memref_slice %arg11[%dma_wait3A_373, %dma_wait3A_380] : memref<4x128xi32, #tpu.memory_space<vmem>> -> memref<1x128xi32, #tpu.memory_space<vmem>>
    %dma_wait3A_382 = tpu.memref_squeeze %dma_wait3A_381 : memref<1x128xi32, #tpu.memory_space<vmem>> -> memref<128xi32, #tpu.memory_space<vmem>>
    %dma_wait3A_383 = arith.constant 0 : i32
    %dma_wait3A_384 = arith.constant 0 : i32
    %dma_wait3A_385 = tpu.memref_slice %arg7[%dma_wait3A_383, %dma_wait3A_384] : memref<100000x128xf32, #tpu.memory_space<hbm>> -> memref<100000x128xf32, #tpu.memory_space<hbm>>
    %dma_wait3A_386 = tpu.memref_slice %arg19[%dma_wait3A_375] : memref<2x!tpu.dma_semaphore, #tpu.memory_space<semaphore_mem>> -> memref<1x!tpu.dma_semaphore, #tpu.memory_space<semaphore_mem>>
    %dma_wait3A_387 = tpu.memref_squeeze %dma_wait3A_386 : memref<1x!tpu.dma_semaphore, #tpu.memory_space<semaphore_mem>> -> memref<!tpu.dma_semaphore, #tpu.memory_space<semaphore_mem>>
    tpu.wait_indirect_dma semaphore(%dma_wait3A_387 : memref<!tpu.dma_semaphore, #tpu.memory_space<semaphore_mem>>) src(%dma_wait3A_385 : memref<100000x128xf32, #tpu.memory_space<hbm>>) dst(%dma_wait3A_379 : memref<128x128xf32, #tpu.memory_space<vmem>>)
    %dma_wait3A_388 = arith.constant 1 : i32
    %dma_wait3A_389 = arith.constant 1 : i32
    %dma_wait3A_390 = arith.constant 1 : i32
    %dma_wait3A_391 = arith.constant 0 : i32
    %dma_wait3A_392 = arith.constant 0 : i32
    %dma_wait3A_393 = tpu.memref_slice %arg15[%dma_wait3A_389, %dma_wait3A_391, %dma_wait3A_392] : memref<3x128x128xf32, #tpu.memory_space<vmem>> -> memref<1x128x128xf32, #tpu.memory_space<vmem>>
    %dma_wait3A_394 = tpu.memref_squeeze %dma_wait3A_393 : memref<1x128x128xf32, #tpu.memory_space<vmem>> -> memref<128x128xf32, #tpu.memory_space<vmem>>
    %dma_wait3A_395 = arith.constant 0 : i32
    %dma_wait3A_396 = tpu.memref_slice %arg13[%dma_wait3A_388, %dma_wait3A_395] : memref<4x128xi32, #tpu.memory_space<vmem>> -> memref<1x128xi32, #tpu.memory_space<vmem>>
    %dma_wait3A_397 = tpu.memref_squeeze %dma_wait3A_396 : memref<1x128xi32, #tpu.memory_space<vmem>> -> memref<128xi32, #tpu.memory_space<vmem>>
    %dma_wait3A_398 = arith.constant 0 : i32
    %dma_wait3A_399 = arith.constant 0 : i32
    %dma_wait3A_400 = tpu.memref_slice %arg9[%dma_wait3A_398, %dma_wait3A_399] : memref<1000x128xf32, #tpu.memory_space<hbm>> -> memref<1000x128xf32, #tpu.memory_space<hbm>>
    %dma_wait3A_401 = tpu.memref_slice %arg21[%dma_wait3A_390] : memref<3x!tpu.dma_semaphore, #tpu.memory_space<semaphore_mem>> -> memref<1x!tpu.dma_semaphore, #tpu.memory_space<semaphore_mem>>
    %dma_wait3A_402 = tpu.memref_squeeze %dma_wait3A_401 : memref<1x!tpu.dma_semaphore, #tpu.memory_space<semaphore_mem>> -> memref<!tpu.dma_semaphore, #tpu.memory_space<semaphore_mem>>
    tpu.wait_indirect_dma semaphore(%dma_wait3A_402 : memref<!tpu.dma_semaphore, #tpu.memory_space<semaphore_mem>>) src(%dma_wait3A_400 : memref<1000x128xf32, #tpu.memory_space<hbm>>) dst(%dma_wait3A_394 : memref<128x128xf32, #tpu.memory_space<vmem>>)
    %dma_wait3A_403 = arith.constant 1 : i32
    %dma_wait3A_404 = arith.constant 1 : i32
    %dma_wait3A_405 = arith.constant 0 : i32
    %dma_wait3A_406 = tpu.memref_slice %arg16[%dma_wait3A_404, %dma_wait3A_405] : memref<4x128xf32, #tpu.memory_space<vmem>> -> memref<1x128xf32, #tpu.memory_space<vmem>>
    %dma_wait3A_407 = tpu.memref_squeeze %dma_wait3A_406 : memref<1x128xf32, #tpu.memory_space<vmem>> -> memref<128xf32, #tpu.memory_space<vmem>>
    %dma_wait3A_408 = arith.constant 0 : i32
    %dma_wait3A_409 = tpu.memref_slice %arg11[%dma_wait3A_403, %dma_wait3A_408] : memref<4x128xi32, #tpu.memory_space<vmem>> -> memref<1x128xi32, #tpu.memory_space<vmem>>
    %dma_wait3A_410 = tpu.memref_squeeze %dma_wait3A_409 : memref<1x128xi32, #tpu.memory_space<vmem>> -> memref<128xi32, #tpu.memory_space<vmem>>
    %dma_wait3A_411 = arith.constant 0 : i32
    %dma_wait3A_412 = tpu.memref_slice %arg5[%dma_wait3A_411] : memref<100000xf32, #tpu.memory_space<hbm>> -> memref<100000xf32, #tpu.memory_space<hbm>>
    tpu.wait_indirect_dma semaphore(%arg22 : memref<!tpu.dma_semaphore, #tpu.memory_space<semaphore_mem>>) src(%dma_wait3A_412 : memref<100000xf32, #tpu.memory_space<hbm>>) dst(%dma_wait3A_407 : memref<128xf32, #tpu.memory_space<vmem>>)
    %dma_wait3A_413 = arith.constant 1 : i32
    %dma_wait3A_414 = arith.constant 1 : i32
    %dma_wait3A_415 = arith.constant 0 : i32
    %dma_wait3A_416 = tpu.memref_slice %arg17[%dma_wait3A_414, %dma_wait3A_415] : memref<4x128xf32, #tpu.memory_space<vmem>> -> memref<1x128xf32, #tpu.memory_space<vmem>>
    %dma_wait3A_417 = tpu.memref_squeeze %dma_wait3A_416 : memref<1x128xf32, #tpu.memory_space<vmem>> -> memref<128xf32, #tpu.memory_space<vmem>>
    %dma_wait3A_418 = arith.constant 0 : i32
    %dma_wait3A_419 = tpu.memref_slice %arg12[%dma_wait3A_413, %dma_wait3A_418] : memref<4x128xi32, #tpu.memory_space<vmem>> -> memref<1x128xi32, #tpu.memory_space<vmem>>
    %dma_wait3A_420 = tpu.memref_squeeze %dma_wait3A_419 : memref<1x128xi32, #tpu.memory_space<vmem>> -> memref<128xi32, #tpu.memory_space<vmem>>
    %dma_wait3A_421 = arith.constant 0 : i32
    %dma_wait3A_422 = tpu.memref_slice %arg6[%dma_wait3A_421] : memref<100000xf32, #tpu.memory_space<hbm>> -> memref<100000xf32, #tpu.memory_space<hbm>>
    tpu.wait_indirect_dma semaphore(%arg22 : memref<!tpu.dma_semaphore, #tpu.memory_space<semaphore_mem>>) src(%dma_wait3A_422 : memref<100000xf32, #tpu.memory_space<hbm>>) dst(%dma_wait3A_417 : memref<128xf32, #tpu.memory_space<vmem>>)
    %scan3A_423 = arith.constant 0 : i32
    %scan3A_424 = arith.constant 0 : i32
    %scan3A_425 = arith.constant 8 : i32
    %scan3A_426 = arith.addi %scan3A_424, %scan3A_425 : i32
    %scan3A_427 = arith.constant 1 : i32
    scf.for %scan3A_594 = %scan3A_424 to %scan3A_426 step %scan3A_427  : i32 {
      %iota3A = tpu.iota {dimensions = array<i32: 0>} : vector<16xi32>
      %broadcast_in_dim3A = arith.constant 0.000000e+00 : f32
      %broadcast_in_dim3A_595 = vector.broadcast %broadcast_in_dim3A : f32 to vector<16xf32>
      %scan3A_596 = arith.constant 0 : i32
      %scan3A_597 = arith.constant 16 : i32
      %scan3A_598 = arith.addi %scan3A_596, %scan3A_597 : i32
      %scan3A_599 = arith.constant 1 : i32
      %scan3A_600 = scf.for %scan3A_620 = %scan3A_596 to %scan3A_598 step %scan3A_599 iter_args(%scan3A_621 = %broadcast_in_dim3A_595) -> (vector<16xf32>)  : i32 {
        %mul3A_622 = arith.constant 16 : i32
        %mul3A_623 = arith.muli %scan3A_594, %mul3A_622 : i32
        %add3A_624 = arith.addi %mul3A_623, %scan3A_620 : i32
        %get3A_625 = arith.constant 1 : i32
        %get3A_626 = arith.index_cast %get3A_625 : i32 to index
        %get3A_627 = arith.index_cast %add3A_624 : i32 to index
        %get3A_628 = arith.constant 0 : index
        %get3A_629 = tpu.vector_load %arg14[%get3A_626, %get3A_627, %get3A_628] {strides = array<i32>} : memref<2x128x128xf32, #tpu.memory_space<vmem>>, vector<16xf32>,
        %get3A_630 = arith.constant 1 : i32
        %get3A_631 = arith.index_cast %get3A_630 : i32 to index
        %get3A_632 = arith.index_cast %add3A_624 : i32 to index
        %get3A_633 = arith.constant 0 : index
        %get3A_634 = tpu.vector_load %arg15[%get3A_631, %get3A_632, %get3A_633] {strides = array<i32>} : memref<3x128x128xf32, #tpu.memory_space<vmem>>, vector<16xf32>,
        %mul3A_635 = arith.mulf %get3A_629, %get3A_634 : vector<16xf32>
        %get3A_636 = arith.constant 1 : i32
        %get3A_637 = arith.index_cast %get3A_636 : i32 to index
        %get3A_638 = arith.index_cast %add3A_624 : i32 to index
        %get3A_639 = arith.constant 16 : index
        %get3A_640 = tpu.vector_load %arg14[%get3A_637, %get3A_638, %get3A_639] {strides = array<i32>} : memref<2x128x128xf32, #tpu.memory_space<vmem>>, vector<16xf32>,
        %get3A_641 = arith.constant 1 : i32
        %get3A_642 = arith.index_cast %get3A_641 : i32 to index
        %get3A_643 = arith.index_cast %add3A_624 : i32 to index
        %get3A_644 = arith.constant 16 : index
        %get3A_645 = tpu.vector_load %arg15[%get3A_642, %get3A_643, %get3A_644] {strides = array<i32>} : memref<3x128x128xf32, #tpu.memory_space<vmem>>, vector<16xf32>,
        %mul3A_646 = arith.mulf %get3A_640, %get3A_645 : vector<16xf32>
        %get3A_647 = arith.constant 1 : i32
        %get3A_648 = arith.index_cast %get3A_647 : i32 to index
        %get3A_649 = arith.index_cast %add3A_624 : i32 to index
        %get3A_650 = arith.constant 32 : index
        %get3A_651 = tpu.vector_load %arg14[%get3A_648, %get3A_649, %get3A_650] {strides = array<i32>} : memref<2x128x128xf32, #tpu.memory_space<vmem>>, vector<16xf32>,
        %get3A_652 = arith.constant 1 : i32
        %get3A_653 = arith.index_cast %get3A_652 : i32 to index
        %get3A_654 = arith.index_cast %add3A_624 : i32 to index
        %get3A_655 = arith.constant 32 : index
        %get3A_656 = tpu.vector_load %arg15[%get3A_653, %get3A_654, %get3A_655] {strides = array<i32>} : memref<3x128x128xf32, #tpu.memory_space<vmem>>, vector<16xf32>,
        %mul3A_657 = arith.mulf %get3A_651, %get3A_656 : vector<16xf32>
        %add3A_658 = arith.addf %mul3A_635, %mul3A_657 : vector<16xf32>
        %get3A_659 = arith.constant 1 : i32
        %get3A_660 = arith.index_cast %get3A_659 : i32 to index
        %get3A_661 = arith.index_cast %add3A_624 : i32 to index
        %get3A_662 = arith.constant 48 : index
        %get3A_663 = tpu.vector_load %arg14[%get3A_660, %get3A_661, %get3A_662] {strides = array<i32>} : memref<2x128x128xf32, #tpu.memory_space<vmem>>, vector<16xf32>,
        %get3A_664 = arith.constant 1 : i32
        %get3A_665 = arith.index_cast %get3A_664 : i32 to index
        %get3A_666 = arith.index_cast %add3A_624 : i32 to index
        %get3A_667 = arith.constant 48 : index
        %get3A_668 = tpu.vector_load %arg15[%get3A_665, %get3A_666, %get3A_667] {strides = array<i32>} : memref<3x128x128xf32, #tpu.memory_space<vmem>>, vector<16xf32>,
        %mul3A_669 = arith.mulf %get3A_663, %get3A_668 : vector<16xf32>
        %add3A_670 = arith.addf %mul3A_646, %mul3A_669 : vector<16xf32>
        %get3A_671 = arith.constant 1 : i32
        %get3A_672 = arith.index_cast %get3A_671 : i32 to index
        %get3A_673 = arith.index_cast %add3A_624 : i32 to index
        %get3A_674 = arith.constant 64 : index
        %get3A_675 = tpu.vector_load %arg14[%get3A_672, %get3A_673, %get3A_674] {strides = array<i32>} : memref<2x128x128xf32, #tpu.memory_space<vmem>>, vector<16xf32>,
        %get3A_676 = arith.constant 1 : i32
        %get3A_677 = arith.index_cast %get3A_676 : i32 to index
        %get3A_678 = arith.index_cast %add3A_624 : i32 to index
        %get3A_679 = arith.constant 64 : index
        %get3A_680 = tpu.vector_load %arg15[%get3A_677, %get3A_678, %get3A_679] {strides = array<i32>} : memref<3x128x128xf32, #tpu.memory_space<vmem>>, vector<16xf32>,
        %mul3A_681 = arith.mulf %get3A_675, %get3A_680 : vector<16xf32>
        %add3A_682 = arith.addf %add3A_658, %mul3A_681 : vector<16xf32>
        %get3A_683 = arith.constant 1 : i32
        %get3A_684 = arith.index_cast %get3A_683 : i32 to index
        %get3A_685 = arith.index_cast %add3A_624 : i32 to index
        %get3A_686 = arith.constant 80 : index
        %get3A_687 = tpu.vector_load %arg14[%get3A_684, %get3A_685, %get3A_686] {strides = array<i32>} : memref<2x128x128xf32, #tpu.memory_space<vmem>>, vector<16xf32>,
        %get3A_688 = arith.constant 1 : i32
        %get3A_689 = arith.index_cast %get3A_688 : i32 to index
        %get3A_690 = arith.index_cast %add3A_624 : i32 to index
        %get3A_691 = arith.constant 80 : index
        %get3A_692 = tpu.vector_load %arg15[%get3A_689, %get3A_690, %get3A_691] {strides = array<i32>} : memref<3x128x128xf32, #tpu.memory_space<vmem>>, vector<16xf32>,
        %mul3A_693 = arith.mulf %get3A_687, %get3A_692 : vector<16xf32>
        %add3A_694 = arith.addf %add3A_670, %mul3A_693 : vector<16xf32>
        %get3A_695 = arith.constant 1 : i32
        %get3A_696 = arith.index_cast %get3A_695 : i32 to index
        %get3A_697 = arith.index_cast %add3A_624 : i32 to index
        %get3A_698 = arith.constant 96 : index
        %get3A_699 = tpu.vector_load %arg14[%get3A_696, %get3A_697, %get3A_698] {strides = array<i32>} : memref<2x128x128xf32, #tpu.memory_space<vmem>>, vector<16xf32>,
        %get3A_700 = arith.constant 1 : i32
        %get3A_701 = arith.index_cast %get3A_700 : i32 to index
        %get3A_702 = arith.index_cast %add3A_624 : i32 to index
        %get3A_703 = arith.constant 96 : index
        %get3A_704 = tpu.vector_load %arg15[%get3A_701, %get3A_702, %get3A_703] {strides = array<i32>} : memref<3x128x128xf32, #tpu.memory_space<vmem>>, vector<16xf32>,
        %mul3A_705 = arith.mulf %get3A_699, %get3A_704 : vector<16xf32>
        %add3A_706 = arith.addf %add3A_682, %mul3A_705 : vector<16xf32>
        %get3A_707 = arith.constant 1 : i32
        %get3A_708 = arith.index_cast %get3A_707 : i32 to index
        %get3A_709 = arith.index_cast %add3A_624 : i32 to index
        %get3A_710 = arith.constant 112 : index
        %get3A_711 = tpu.vector_load %arg14[%get3A_708, %get3A_709, %get3A_710] {strides = array<i32>} : memref<2x128x128xf32, #tpu.memory_space<vmem>>, vector<16xf32>,
        %get3A_712 = arith.constant 1 : i32
        %get3A_713 = arith.index_cast %get3A_712 : i32 to index
        %get3A_714 = arith.index_cast %add3A_624 : i32 to index
        %get3A_715 = arith.constant 112 : index
        %get3A_716 = tpu.vector_load %arg15[%get3A_713, %get3A_714, %get3A_715] {strides = array<i32>} : memref<3x128x128xf32, #tpu.memory_space<vmem>>, vector<16xf32>,
        %mul3A_717 = arith.mulf %get3A_711, %get3A_716 : vector<16xf32>
        %add3A_718 = arith.addf %add3A_694, %mul3A_717 : vector<16xf32>
        %eq3A = vector.broadcast %scan3A_620 : i32 to vector<16xi32>
        %eq3A_719 = arith.cmpi eq, %iota3A, %eq3A : vector<16xi32>
        %add3A_720 = arith.addf %add3A_706, %add3A_718 : vector<16xf32>
        %reduce_sum3A = arith.constant true
        %reduce_sum3A_721 = vector.broadcast %reduce_sum3A : i1 to vector<16xi1>
        %reduce_sum3A_722 = tpu.scan <sum>, %add3A_720 masked %reduce_sum3A_721 : vector<16xf32>, vector<16xi1> -> vector<16xf32>
        %reduce_sum3A_723 = vector.extract %reduce_sum3A_722[15] : f32 from vector<16xf32>
        %broadcast_in_dim3A_724 = vector.broadcast %reduce_sum3A_723 : f32 to vector<16xf32>
        %select_n3A = arith.select %eq3A_719, %broadcast_in_dim3A_724, %scan3A_621 : vector<16xi1>, vector<16xf32>
        scf.yield %select_n3A : vector<16xf32>
      }
      %scan3A_601 = arith.constant 16 : i32
      %mul3A_602 = arith.constant 16 : i32
      %mul3A_603 = arith.muli %scan3A_594, %mul3A_602 : i32
      %get3A = arith.constant 1 : i32
      %get3A_604 = arith.index_cast %get3A : i32 to index
      %get3A_605 = arith.index_cast %mul3A_603 : i32 to index
      %get3A_606 = tpu.vector_load %arg16[%get3A_604, %get3A_605] {strides = array<i32>} : memref<4x128xf32, #tpu.memory_space<vmem>>, vector<16xf32>,
      %add3A_607 = arith.addf %scan3A_600, %get3A_606 : vector<16xf32>
      %mul3A_608 = arith.constant 16 : i32
      %mul3A_609 = arith.muli %scan3A_594, %mul3A_608 : i32
      %get3A_610 = arith.constant 1 : i32
      %get3A_611 = arith.index_cast %get3A_610 : i32 to index
      %get3A_612 = arith.index_cast %mul3A_609 : i32 to index
      %get3A_613 = tpu.vector_load %arg17[%get3A_611, %get3A_612] {strides = array<i32>} : memref<4x128xf32, #tpu.memory_space<vmem>>, vector<16xf32>,
      %add3A_614 = arith.addf %add3A_607, %get3A_613 : vector<16xf32>
      %mul3A_615 = arith.constant 16 : i32
      %mul3A_616 = arith.muli %scan3A_594, %mul3A_615 : i32
      %swap3A = arith.constant 1 : i32
      %swap3A_617 = arith.index_cast %swap3A : i32 to index
      %swap3A_618 = arith.index_cast %mul3A_616 : i32 to index
      %swap3A_619 = tpu.vector_load %arg18[%swap3A_617, %swap3A_618] {strides = array<i32>} : memref<4x128xf32, #tpu.memory_space<vmem>>, vector<16xf32>,
      tpu.vector_store %arg18[%swap3A_617, %swap3A_618], %add3A_614 {strides = array<i32>} : memref<4x128xf32, #tpu.memory_space<vmem>>, vector<16xf32>,
    }
    %scan3A_428 = arith.constant 8 : i32
    %dma_start3A_429 = arith.constant 3 : i32
    %dma_start3A_430 = arith.constant 1 : i32
    %dma_start3A_431 = arith.constant 1 : i32
    %dma_start3A_432 = arith.constant 0 : i32
    %dma_start3A_433 = arith.constant 0 : i32
    %dma_start3A_434 = tpu.memref_slice %arg14[%dma_start3A_430, %dma_start3A_432, %dma_start3A_433] : memref<2x128x128xf32, #tpu.memory_space<vmem>> -> memref<1x128x128xf32, #tpu.memory_space<vmem>>
    %dma_start3A_435 = tpu.memref_squeeze %dma_start3A_434 : memref<1x128x128xf32, #tpu.memory_space<vmem>> -> memref<128x128xf32, #tpu.memory_space<vmem>>
    %dma_start3A_436 = arith.constant 0 : i32
    %dma_start3A_437 = tpu.memref_slice %arg11[%dma_start3A_429, %dma_start3A_436] : memref<4x128xi32, #tpu.memory_space<vmem>> -> memref<1x128xi32, #tpu.memory_space<vmem>>
    %dma_start3A_438 = tpu.memref_squeeze %dma_start3A_437 : memref<1x128xi32, #tpu.memory_space<vmem>> -> memref<128xi32, #tpu.memory_space<vmem>>
    %dma_start3A_439 = arith.constant 0 : i32
    %dma_start3A_440 = arith.constant 0 : i32
    %dma_start3A_441 = tpu.memref_slice %arg7[%dma_start3A_439, %dma_start3A_440] : memref<100000x128xf32, #tpu.memory_space<hbm>> -> memref<100000x128xf32, #tpu.memory_space<hbm>>
    %dma_start3A_442 = tpu.memref_slice %arg19[%dma_start3A_431] : memref<2x!tpu.dma_semaphore, #tpu.memory_space<semaphore_mem>> -> memref<1x!tpu.dma_semaphore, #tpu.memory_space<semaphore_mem>>
    %dma_start3A_443 = tpu.memref_squeeze %dma_start3A_442 : memref<1x!tpu.dma_semaphore, #tpu.memory_space<semaphore_mem>> -> memref<!tpu.dma_semaphore, #tpu.memory_space<semaphore_mem>>
    tpu.enqueue_indirect_dma source(%dma_start3A_441 : memref<100000x128xf32, #tpu.memory_space<hbm>>) target(%dma_start3A_435 : memref<128x128xf32, #tpu.memory_space<vmem>>) offsets(%dma_start3A_438 : memref<128xi32, #tpu.memory_space<vmem>>) semaphore(%dma_start3A_443 : memref<!tpu.dma_semaphore, #tpu.memory_space<semaphore_mem>>)
    %dma_wait3A_444 = arith.constant 3 : i32
    %dma_wait3A_445 = arith.constant 0 : i32
    %dma_wait3A_446 = arith.constant 0 : i32
    %dma_wait3A_447 = arith.constant 0 : i32
    %dma_wait3A_448 = arith.constant 0 : i32
    %dma_wait3A_449 = tpu.memref_slice %arg15[%dma_wait3A_445, %dma_wait3A_447, %dma_wait3A_448] : memref<3x128x128xf32, #tpu.memory_space<vmem>> -> memref<1x128x128xf32, #tpu.memory_space<vmem>>
    %dma_wait3A_450 = tpu.memref_squeeze %dma_wait3A_449 : memref<1x128x128xf32, #tpu.memory_space<vmem>> -> memref<128x128xf32, #tpu.memory_space<vmem>>
    %dma_wait3A_451 = arith.constant 0 : i32
    %dma_wait3A_452 = tpu.memref_slice %arg12[%dma_wait3A_444, %dma_wait3A_451] : memref<4x128xi32, #tpu.memory_space<vmem>> -> memref<1x128xi32, #tpu.memory_space<vmem>>
    %dma_wait3A_453 = tpu.memref_squeeze %dma_wait3A_452 : memref<1x128xi32, #tpu.memory_space<vmem>> -> memref<128xi32, #tpu.memory_space<vmem>>
    %dma_wait3A_454 = arith.constant 0 : i32
    %dma_wait3A_455 = arith.constant 0 : i32
    %dma_wait3A_456 = tpu.memref_slice %arg8[%dma_wait3A_454, %dma_wait3A_455] : memref<100000x128xf32, #tpu.memory_space<hbm>> -> memref<100000x128xf32, #tpu.memory_space<hbm>>
    %dma_wait3A_457 = tpu.memref_slice %arg20[%dma_wait3A_446] : memref<3x!tpu.dma_semaphore, #tpu.memory_space<semaphore_mem>> -> memref<1x!tpu.dma_semaphore, #tpu.memory_space<semaphore_mem>>
    %dma_wait3A_458 = tpu.memref_squeeze %dma_wait3A_457 : memref<1x!tpu.dma_semaphore, #tpu.memory_space<semaphore_mem>> -> memref<!tpu.dma_semaphore, #tpu.memory_space<semaphore_mem>>
    tpu.wait_indirect_dma semaphore(%dma_wait3A_458 : memref<!tpu.dma_semaphore, #tpu.memory_space<semaphore_mem>>) src(%dma_wait3A_456 : memref<100000x128xf32, #tpu.memory_space<hbm>>) dst(%dma_wait3A_450 : memref<128x128xf32, #tpu.memory_space<vmem>>)
    %dma_start3A_459 = arith.constant 3 : i32
    %dma_start3A_460 = arith.constant 0 : i32
    %dma_start3A_461 = arith.constant 0 : i32
    %dma_start3A_462 = arith.constant 0 : i32
    %dma_start3A_463 = arith.constant 0 : i32
    %dma_start3A_464 = tpu.memref_slice %arg15[%dma_start3A_460, %dma_start3A_462, %dma_start3A_463] : memref<3x128x128xf32, #tpu.memory_space<vmem>> -> memref<1x128x128xf32, #tpu.memory_space<vmem>>
    %dma_start3A_465 = tpu.memref_squeeze %dma_start3A_464 : memref<1x128x128xf32, #tpu.memory_space<vmem>> -> memref<128x128xf32, #tpu.memory_space<vmem>>
    %dma_start3A_466 = arith.constant 0 : i32
    %dma_start3A_467 = tpu.memref_slice %arg13[%dma_start3A_459, %dma_start3A_466] : memref<4x128xi32, #tpu.memory_space<vmem>> -> memref<1x128xi32, #tpu.memory_space<vmem>>
    %dma_start3A_468 = tpu.memref_squeeze %dma_start3A_467 : memref<1x128xi32, #tpu.memory_space<vmem>> -> memref<128xi32, #tpu.memory_space<vmem>>
    %dma_start3A_469 = arith.constant 0 : i32
    %dma_start3A_470 = arith.constant 0 : i32
    %dma_start3A_471 = tpu.memref_slice %arg9[%dma_start3A_469, %dma_start3A_470] : memref<1000x128xf32, #tpu.memory_space<hbm>> -> memref<1000x128xf32, #tpu.memory_space<hbm>>
    %dma_start3A_472 = tpu.memref_slice %arg21[%dma_start3A_461] : memref<3x!tpu.dma_semaphore, #tpu.memory_space<semaphore_mem>> -> memref<1x!tpu.dma_semaphore, #tpu.memory_space<semaphore_mem>>
    %dma_start3A_473 = tpu.memref_squeeze %dma_start3A_472 : memref<1x!tpu.dma_semaphore, #tpu.memory_space<semaphore_mem>> -> memref<!tpu.dma_semaphore, #tpu.memory_space<semaphore_mem>>
    tpu.enqueue_indirect_dma source(%dma_start3A_471 : memref<1000x128xf32, #tpu.memory_space<hbm>>) target(%dma_start3A_465 : memref<128x128xf32, #tpu.memory_space<vmem>>) offsets(%dma_start3A_468 : memref<128xi32, #tpu.memory_space<vmem>>) semaphore(%dma_start3A_473 : memref<!tpu.dma_semaphore, #tpu.memory_space<semaphore_mem>>) {add = true}
    %dma_wait3A_474 = arith.constant 2 : i32
    %dma_wait3A_475 = arith.constant 0 : i32
    %dma_wait3A_476 = arith.constant 0 : i32
    %dma_wait3A_477 = arith.constant 0 : i32
    %dma_wait3A_478 = arith.constant 0 : i32
    %dma_wait3A_479 = tpu.memref_slice %arg14[%dma_wait3A_475, %dma_wait3A_477, %dma_wait3A_478] : memref<2x128x128xf32, #tpu.memory_space<vmem>> -> memref<1x128x128xf32, #tpu.memory_space<vmem>>
    %dma_wait3A_480 = tpu.memref_squeeze %dma_wait3A_479 : memref<1x128x128xf32, #tpu.memory_space<vmem>> -> memref<128x128xf32, #tpu.memory_space<vmem>>
    %dma_wait3A_481 = arith.constant 0 : i32
    %dma_wait3A_482 = tpu.memref_slice %arg11[%dma_wait3A_474, %dma_wait3A_481] : memref<4x128xi32, #tpu.memory_space<vmem>> -> memref<1x128xi32, #tpu.memory_space<vmem>>
    %dma_wait3A_483 = tpu.memref_squeeze %dma_wait3A_482 : memref<1x128xi32, #tpu.memory_space<vmem>> -> memref<128xi32, #tpu.memory_space<vmem>>
    %dma_wait3A_484 = arith.constant 0 : i32
    %dma_wait3A_485 = arith.constant 0 : i32
    %dma_wait3A_486 = tpu.memref_slice %arg7[%dma_wait3A_484, %dma_wait3A_485] : memref<100000x128xf32, #tpu.memory_space<hbm>> -> memref<100000x128xf32, #tpu.memory_space<hbm>>
    %dma_wait3A_487 = tpu.memref_slice %arg19[%dma_wait3A_476] : memref<2x!tpu.dma_semaphore, #tpu.memory_space<semaphore_mem>> -> memref<1x!tpu.dma_semaphore, #tpu.memory_space<semaphore_mem>>
    %dma_wait3A_488 = tpu.memref_squeeze %dma_wait3A_487 : memref<1x!tpu.dma_semaphore, #tpu.memory_space<semaphore_mem>> -> memref<!tpu.dma_semaphore, #tpu.memory_space<semaphore_mem>>
    tpu.wait_indirect_dma semaphore(%dma_wait3A_488 : memref<!tpu.dma_semaphore, #tpu.memory_space<semaphore_mem>>) src(%dma_wait3A_486 : memref<100000x128xf32, #tpu.memory_space<hbm>>) dst(%dma_wait3A_480 : memref<128x128xf32, #tpu.memory_space<vmem>>)
    %dma_wait3A_489 = arith.constant 2 : i32
    %dma_wait3A_490 = arith.constant 2 : i32
    %dma_wait3A_491 = arith.constant 2 : i32
    %dma_wait3A_492 = arith.constant 0 : i32
    %dma_wait3A_493 = arith.constant 0 : i32
    %dma_wait3A_494 = tpu.memref_slice %arg15[%dma_wait3A_490, %dma_wait3A_492, %dma_wait3A_493] : memref<3x128x128xf32, #tpu.memory_space<vmem>> -> memref<1x128x128xf32, #tpu.memory_space<vmem>>
    %dma_wait3A_495 = tpu.memref_squeeze %dma_wait3A_494 : memref<1x128x128xf32, #tpu.memory_space<vmem>> -> memref<128x128xf32, #tpu.memory_space<vmem>>
    %dma_wait3A_496 = arith.constant 0 : i32
    %dma_wait3A_497 = tpu.memref_slice %arg13[%dma_wait3A_489, %dma_wait3A_496] : memref<4x128xi32, #tpu.memory_space<vmem>> -> memref<1x128xi32, #tpu.memory_space<vmem>>
    %dma_wait3A_498 = tpu.memref_squeeze %dma_wait3A_497 : memref<1x128xi32, #tpu.memory_space<vmem>> -> memref<128xi32, #tpu.memory_space<vmem>>
    %dma_wait3A_499 = arith.constant 0 : i32
    %dma_wait3A_500 = arith.constant 0 : i32
    %dma_wait3A_501 = tpu.memref_slice %arg9[%dma_wait3A_499, %dma_wait3A_500] : memref<1000x128xf32, #tpu.memory_space<hbm>> -> memref<1000x128xf32, #tpu.memory_space<hbm>>
    %dma_wait3A_502 = tpu.memref_slice %arg21[%dma_wait3A_491] : memref<3x!tpu.dma_semaphore, #tpu.memory_space<semaphore_mem>> -> memref<1x!tpu.dma_semaphore, #tpu.memory_space<semaphore_mem>>
    %dma_wait3A_503 = tpu.memref_squeeze %dma_wait3A_502 : memref<1x!tpu.dma_semaphore, #tpu.memory_space<semaphore_mem>> -> memref<!tpu.dma_semaphore, #tpu.memory_space<semaphore_mem>>
    tpu.wait_indirect_dma semaphore(%dma_wait3A_503 : memref<!tpu.dma_semaphore, #tpu.memory_space<semaphore_mem>>) src(%dma_wait3A_501 : memref<1000x128xf32, #tpu.memory_space<hbm>>) dst(%dma_wait3A_495 : memref<128x128xf32, #tpu.memory_space<vmem>>)
    %dma_wait3A_504 = arith.constant 2 : i32
    %dma_wait3A_505 = arith.constant 2 : i32
    %dma_wait3A_506 = arith.constant 0 : i32
    %dma_wait3A_507 = tpu.memref_slice %arg16[%dma_wait3A_505, %dma_wait3A_506] : memref<4x128xf32, #tpu.memory_space<vmem>> -> memref<1x128xf32, #tpu.memory_space<vmem>>
    %dma_wait3A_508 = tpu.memref_squeeze %dma_wait3A_507 : memref<1x128xf32, #tpu.memory_space<vmem>> -> memref<128xf32, #tpu.memory_space<vmem>>
    %dma_wait3A_509 = arith.constant 0 : i32
    %dma_wait3A_510 = tpu.memref_slice %arg11[%dma_wait3A_504, %dma_wait3A_509] : memref<4x128xi32, #tpu.memory_space<vmem>> -> memref<1x128xi32, #tpu.memory_space<vmem>>
    %dma_wait3A_511 = tpu.memref_squeeze %dma_wait3A_510 : memref<1x128xi32, #tpu.memory_space<vmem>> -> memref<128xi32, #tpu.memory_space<vmem>>
    %dma_wait3A_512 = arith.constant 0 : i32
    %dma_wait3A_513 = tpu.memref_slice %arg5[%dma_wait3A_512] : memref<100000xf32, #tpu.memory_space<hbm>> -> memref<100000xf32, #tpu.memory_space<hbm>>
    tpu.wait_indirect_dma semaphore(%arg22 : memref<!tpu.dma_semaphore, #tpu.memory_space<semaphore_mem>>) src(%dma_wait3A_513 : memref<100000xf32, #tpu.memory_space<hbm>>) dst(%dma_wait3A_508 : memref<128xf32, #tpu.memory_space<vmem>>)
    %dma_wait3A_514 = arith.constant 2 : i32
    %dma_wait3A_515 = arith.constant 2 : i32
    %dma_wait3A_516 = arith.constant 0 : i32
    %dma_wait3A_517 = tpu.memref_slice %arg17[%dma_wait3A_515, %dma_wait3A_516] : memref<4x128xf32, #tpu.memory_space<vmem>> -> memref<1x128xf32, #tpu.memory_space<vmem>>
    %dma_wait3A_518 = tpu.memref_squeeze %dma_wait3A_517 : memref<1x128xf32, #tpu.memory_space<vmem>> -> memref<128xf32, #tpu.memory_space<vmem>>
    %dma_wait3A_519 = arith.constant 0 : i32
    %dma_wait3A_520 = tpu.memref_slice %arg12[%dma_wait3A_514, %dma_wait3A_519] : memref<4x128xi32, #tpu.memory_space<vmem>> -> memref<1x128xi32, #tpu.memory_space<vmem>>
    %dma_wait3A_521 = tpu.memref_squeeze %dma_wait3A_520 : memref<1x128xi32, #tpu.memory_space<vmem>> -> memref<128xi32, #tpu.memory_space<vmem>>
    %dma_wait3A_522 = arith.constant 0 : i32
    %dma_wait3A_523 = tpu.memref_slice %arg6[%dma_wait3A_522] : memref<100000xf32, #tpu.memory_space<hbm>> -> memref<100000xf32, #tpu.memory_space<hbm>>
    tpu.wait_indirect_dma semaphore(%arg22 : memref<!tpu.dma_semaphore, #tpu.memory_space<semaphore_mem>>) src(%dma_wait3A_523 : memref<100000xf32, #tpu.memory_space<hbm>>) dst(%dma_wait3A_518 : memref<128xf32, #tpu.memory_space<vmem>>)
    %scan3A_524 = arith.constant 0 : i32
    %scan3A_525 = arith.constant 0 : i32
    %scan3A_526 = arith.constant 8 : i32
    %scan3A_527 = arith.addi %scan3A_525, %scan3A_526 : i32
    %scan3A_528 = arith.constant 1 : i32
    scf.for %scan3A_594 = %scan3A_525 to %scan3A_527 step %scan3A_528  : i32 {
      %iota3A = tpu.iota {dimensions = array<i32: 0>} : vector<16xi32>
      %broadcast_in_dim3A = arith.constant 0.000000e+00 : f32
      %broadcast_in_dim3A_595 = vector.broadcast %broadcast_in_dim3A : f32 to vector<16xf32>
      %scan3A_596 = arith.constant 0 : i32
      %scan3A_597 = arith.constant 16 : i32
      %scan3A_598 = arith.addi %scan3A_596, %scan3A_597 : i32
      %scan3A_599 = arith.constant 1 : i32
      %scan3A_600 = scf.for %scan3A_620 = %scan3A_596 to %scan3A_598 step %scan3A_599 iter_args(%scan3A_621 = %broadcast_in_dim3A_595) -> (vector<16xf32>)  : i32 {
        %mul3A_622 = arith.constant 16 : i32
        %mul3A_623 = arith.muli %scan3A_594, %mul3A_622 : i32
        %add3A_624 = arith.addi %mul3A_623, %scan3A_620 : i32
        %get3A_625 = arith.constant 0 : i32
        %get3A_626 = arith.index_cast %get3A_625 : i32 to index
        %get3A_627 = arith.index_cast %add3A_624 : i32 to index
        %get3A_628 = arith.constant 0 : index
        %get3A_629 = tpu.vector_load %arg14[%get3A_626, %get3A_627, %get3A_628] {strides = array<i32>} : memref<2x128x128xf32, #tpu.memory_space<vmem>>, vector<16xf32>,
        %get3A_630 = arith.constant 2 : i32
        %get3A_631 = arith.index_cast %get3A_630 : i32 to index
        %get3A_632 = arith.index_cast %add3A_624 : i32 to index
        %get3A_633 = arith.constant 0 : index
        %get3A_634 = tpu.vector_load %arg15[%get3A_631, %get3A_632, %get3A_633] {strides = array<i32>} : memref<3x128x128xf32, #tpu.memory_space<vmem>>, vector<16xf32>,
        %mul3A_635 = arith.mulf %get3A_629, %get3A_634 : vector<16xf32>
        %get3A_636 = arith.constant 0 : i32
        %get3A_637 = arith.index_cast %get3A_636 : i32 to index
        %get3A_638 = arith.index_cast %add3A_624 : i32 to index
        %get3A_639 = arith.constant 16 : index
        %get3A_640 = tpu.vector_load %arg14[%get3A_637, %get3A_638, %get3A_639] {strides = array<i32>} : memref<2x128x128xf32, #tpu.memory_space<vmem>>, vector<16xf32>,
        %get3A_641 = arith.constant 2 : i32
        %get3A_642 = arith.index_cast %get3A_641 : i32 to index
        %get3A_643 = arith.index_cast %add3A_624 : i32 to index
        %get3A_644 = arith.constant 16 : index
        %get3A_645 = tpu.vector_load %arg15[%get3A_642, %get3A_643, %get3A_644] {strides = array<i32>} : memref<3x128x128xf32, #tpu.memory_space<vmem>>, vector<16xf32>,
        %mul3A_646 = arith.mulf %get3A_640, %get3A_645 : vector<16xf32>
        %get3A_647 = arith.constant 0 : i32
        %get3A_648 = arith.index_cast %get3A_647 : i32 to index
        %get3A_649 = arith.index_cast %add3A_624 : i32 to index
        %get3A_650 = arith.constant 32 : index
        %get3A_651 = tpu.vector_load %arg14[%get3A_648, %get3A_649, %get3A_650] {strides = array<i32>} : memref<2x128x128xf32, #tpu.memory_space<vmem>>, vector<16xf32>,
        %get3A_652 = arith.constant 2 : i32
        %get3A_653 = arith.index_cast %get3A_652 : i32 to index
        %get3A_654 = arith.index_cast %add3A_624 : i32 to index
        %get3A_655 = arith.constant 32 : index
        %get3A_656 = tpu.vector_load %arg15[%get3A_653, %get3A_654, %get3A_655] {strides = array<i32>} : memref<3x128x128xf32, #tpu.memory_space<vmem>>, vector<16xf32>,
        %mul3A_657 = arith.mulf %get3A_651, %get3A_656 : vector<16xf32>
        %add3A_658 = arith.addf %mul3A_635, %mul3A_657 : vector<16xf32>
        %get3A_659 = arith.constant 0 : i32
        %get3A_660 = arith.index_cast %get3A_659 : i32 to index
        %get3A_661 = arith.index_cast %add3A_624 : i32 to index
        %get3A_662 = arith.constant 48 : index
        %get3A_663 = tpu.vector_load %arg14[%get3A_660, %get3A_661, %get3A_662] {strides = array<i32>} : memref<2x128x128xf32, #tpu.memory_space<vmem>>, vector<16xf32>,
        %get3A_664 = arith.constant 2 : i32
        %get3A_665 = arith.index_cast %get3A_664 : i32 to index
        %get3A_666 = arith.index_cast %add3A_624 : i32 to index
        %get3A_667 = arith.constant 48 : index
        %get3A_668 = tpu.vector_load %arg15[%get3A_665, %get3A_666, %get3A_667] {strides = array<i32>} : memref<3x128x128xf32, #tpu.memory_space<vmem>>, vector<16xf32>,
        %mul3A_669 = arith.mulf %get3A_663, %get3A_668 : vector<16xf32>
        %add3A_670 = arith.addf %mul3A_646, %mul3A_669 : vector<16xf32>
        %get3A_671 = arith.constant 0 : i32
        %get3A_672 = arith.index_cast %get3A_671 : i32 to index
        %get3A_673 = arith.index_cast %add3A_624 : i32 to index
        %get3A_674 = arith.constant 64 : index
        %get3A_675 = tpu.vector_load %arg14[%get3A_672, %get3A_673, %get3A_674] {strides = array<i32>} : memref<2x128x128xf32, #tpu.memory_space<vmem>>, vector<16xf32>,
        %get3A_676 = arith.constant 2 : i32
        %get3A_677 = arith.index_cast %get3A_676 : i32 to index
        %get3A_678 = arith.index_cast %add3A_624 : i32 to index
        %get3A_679 = arith.constant 64 : index
        %get3A_680 = tpu.vector_load %arg15[%get3A_677, %get3A_678, %get3A_679] {strides = array<i32>} : memref<3x128x128xf32, #tpu.memory_space<vmem>>, vector<16xf32>,
        %mul3A_681 = arith.mulf %get3A_675, %get3A_680 : vector<16xf32>
        %add3A_682 = arith.addf %add3A_658, %mul3A_681 : vector<16xf32>
        %get3A_683 = arith.constant 0 : i32
        %get3A_684 = arith.index_cast %get3A_683 : i32 to index
        %get3A_685 = arith.index_cast %add3A_624 : i32 to index
        %get3A_686 = arith.constant 80 : index
        %get3A_687 = tpu.vector_load %arg14[%get3A_684, %get3A_685, %get3A_686] {strides = array<i32>} : memref<2x128x128xf32, #tpu.memory_space<vmem>>, vector<16xf32>,
        %get3A_688 = arith.constant 2 : i32
        %get3A_689 = arith.index_cast %get3A_688 : i32 to index
        %get3A_690 = arith.index_cast %add3A_624 : i32 to index
        %get3A_691 = arith.constant 80 : index
        %get3A_692 = tpu.vector_load %arg15[%get3A_689, %get3A_690, %get3A_691] {strides = array<i32>} : memref<3x128x128xf32, #tpu.memory_space<vmem>>, vector<16xf32>,
        %mul3A_693 = arith.mulf %get3A_687, %get3A_692 : vector<16xf32>
        %add3A_694 = arith.addf %add3A_670, %mul3A_693 : vector<16xf32>
        %get3A_695 = arith.constant 0 : i32
        %get3A_696 = arith.index_cast %get3A_695 : i32 to index
        %get3A_697 = arith.index_cast %add3A_624 : i32 to index
        %get3A_698 = arith.constant 96 : index
        %get3A_699 = tpu.vector_load %arg14[%get3A_696, %get3A_697, %get3A_698] {strides = array<i32>} : memref<2x128x128xf32, #tpu.memory_space<vmem>>, vector<16xf32>,
        %get3A_700 = arith.constant 2 : i32
        %get3A_701 = arith.index_cast %get3A_700 : i32 to index
        %get3A_702 = arith.index_cast %add3A_624 : i32 to index
        %get3A_703 = arith.constant 96 : index
        %get3A_704 = tpu.vector_load %arg15[%get3A_701, %get3A_702, %get3A_703] {strides = array<i32>} : memref<3x128x128xf32, #tpu.memory_space<vmem>>, vector<16xf32>,
        %mul3A_705 = arith.mulf %get3A_699, %get3A_704 : vector<16xf32>
        %add3A_706 = arith.addf %add3A_682, %mul3A_705 : vector<16xf32>
        %get3A_707 = arith.constant 0 : i32
        %get3A_708 = arith.index_cast %get3A_707 : i32 to index
        %get3A_709 = arith.index_cast %add3A_624 : i32 to index
        %get3A_710 = arith.constant 112 : index
        %get3A_711 = tpu.vector_load %arg14[%get3A_708, %get3A_709, %get3A_710] {strides = array<i32>} : memref<2x128x128xf32, #tpu.memory_space<vmem>>, vector<16xf32>,
        %get3A_712 = arith.constant 2 : i32
        %get3A_713 = arith.index_cast %get3A_712 : i32 to index
        %get3A_714 = arith.index_cast %add3A_624 : i32 to index
        %get3A_715 = arith.constant 112 : index
        %get3A_716 = tpu.vector_load %arg15[%get3A_713, %get3A_714, %get3A_715] {strides = array<i32>} : memref<3x128x128xf32, #tpu.memory_space<vmem>>, vector<16xf32>,
        %mul3A_717 = arith.mulf %get3A_711, %get3A_716 : vector<16xf32>
        %add3A_718 = arith.addf %add3A_694, %mul3A_717 : vector<16xf32>
        %eq3A = vector.broadcast %scan3A_620 : i32 to vector<16xi32>
        %eq3A_719 = arith.cmpi eq, %iota3A, %eq3A : vector<16xi32>
        %add3A_720 = arith.addf %add3A_706, %add3A_718 : vector<16xf32>
        %reduce_sum3A = arith.constant true
        %reduce_sum3A_721 = vector.broadcast %reduce_sum3A : i1 to vector<16xi1>
        %reduce_sum3A_722 = tpu.scan <sum>, %add3A_720 masked %reduce_sum3A_721 : vector<16xf32>, vector<16xi1> -> vector<16xf32>
        %reduce_sum3A_723 = vector.extract %reduce_sum3A_722[15] : f32 from vector<16xf32>
        %broadcast_in_dim3A_724 = vector.broadcast %reduce_sum3A_723 : f32 to vector<16xf32>
        %select_n3A = arith.select %eq3A_719, %broadcast_in_dim3A_724, %scan3A_621 : vector<16xi1>, vector<16xf32>
        scf.yield %select_n3A : vector<16xf32>
      }
      %scan3A_601 = arith.constant 16 : i32
      %mul3A_602 = arith.constant 16 : i32
      %mul3A_603 = arith.muli %scan3A_594, %mul3A_602 : i32
      %get3A = arith.constant 2 : i32
      %get3A_604 = arith.index_cast %get3A : i32 to index
      %get3A_605 = arith.index_cast %mul3A_603 : i32 to index
      %get3A_606 = tpu.vector_load %arg16[%get3A_604, %get3A_605] {strides = array<i32>} : memref<4x128xf32, #tpu.memory_space<vmem>>, vector<16xf32>,
      %add3A_607 = arith.addf %scan3A_600, %get3A_606 : vector<16xf32>
      %mul3A_608 = arith.constant 16 : i32
      %mul3A_609 = arith.muli %scan3A_594, %mul3A_608 : i32
      %get3A_610 = arith.constant 2 : i32
      %get3A_611 = arith.index_cast %get3A_610 : i32 to index
      %get3A_612 = arith.index_cast %mul3A_609 : i32 to index
      %get3A_613 = tpu.vector_load %arg17[%get3A_611, %get3A_612] {strides = array<i32>} : memref<4x128xf32, #tpu.memory_space<vmem>>, vector<16xf32>,
      %add3A_614 = arith.addf %add3A_607, %get3A_613 : vector<16xf32>
      %mul3A_615 = arith.constant 16 : i32
      %mul3A_616 = arith.muli %scan3A_594, %mul3A_615 : i32
      %swap3A = arith.constant 2 : i32
      %swap3A_617 = arith.index_cast %swap3A : i32 to index
      %swap3A_618 = arith.index_cast %mul3A_616 : i32 to index
      %swap3A_619 = tpu.vector_load %arg18[%swap3A_617, %swap3A_618] {strides = array<i32>} : memref<4x128xf32, #tpu.memory_space<vmem>>, vector<16xf32>,
      tpu.vector_store %arg18[%swap3A_617, %swap3A_618], %add3A_614 {strides = array<i32>} : memref<4x128xf32, #tpu.memory_space<vmem>>, vector<16xf32>,
    }
    %scan3A_529 = arith.constant 8 : i32
    %dma_wait3A_530 = arith.constant 3 : i32
    %dma_wait3A_531 = arith.constant 1 : i32
    %dma_wait3A_532 = arith.constant 1 : i32
    %dma_wait3A_533 = arith.constant 0 : i32
    %dma_wait3A_534 = arith.constant 0 : i32
    %dma_wait3A_535 = tpu.memref_slice %arg14[%dma_wait3A_531, %dma_wait3A_533, %dma_wait3A_534] : memref<2x128x128xf32, #tpu.memory_space<vmem>> -> memref<1x128x128xf32, #tpu.memory_space<vmem>>
    %dma_wait3A_536 = tpu.memref_squeeze %dma_wait3A_535 : memref<1x128x128xf32, #tpu.memory_space<vmem>> -> memref<128x128xf32, #tpu.memory_space<vmem>>
    %dma_wait3A_537 = arith.constant 0 : i32
    %dma_wait3A_538 = tpu.memref_slice %arg11[%dma_wait3A_530, %dma_wait3A_537] : memref<4x128xi32, #tpu.memory_space<vmem>> -> memref<1x128xi32, #tpu.memory_space<vmem>>
    %dma_wait3A_539 = tpu.memref_squeeze %dma_wait3A_538 : memref<1x128xi32, #tpu.memory_space<vmem>> -> memref<128xi32, #tpu.memory_space<vmem>>
    %dma_wait3A_540 = arith.constant 0 : i32
    %dma_wait3A_541 = arith.constant 0 : i32
    %dma_wait3A_542 = tpu.memref_slice %arg7[%dma_wait3A_540, %dma_wait3A_541] : memref<100000x128xf32, #tpu.memory_space<hbm>> -> memref<100000x128xf32, #tpu.memory_space<hbm>>
    %dma_wait3A_543 = tpu.memref_slice %arg19[%dma_wait3A_532] : memref<2x!tpu.dma_semaphore, #tpu.memory_space<semaphore_mem>> -> memref<1x!tpu.dma_semaphore, #tpu.memory_space<semaphore_mem>>
    %dma_wait3A_544 = tpu.memref_squeeze %dma_wait3A_543 : memref<1x!tpu.dma_semaphore, #tpu.memory_space<semaphore_mem>> -> memref<!tpu.dma_semaphore, #tpu.memory_space<semaphore_mem>>
    tpu.wait_indirect_dma semaphore(%dma_wait3A_544 : memref<!tpu.dma_semaphore, #tpu.memory_space<semaphore_mem>>) src(%dma_wait3A_542 : memref<100000x128xf32, #tpu.memory_space<hbm>>) dst(%dma_wait3A_536 : memref<128x128xf32, #tpu.memory_space<vmem>>)
    %dma_wait3A_545 = arith.constant 3 : i32
    %dma_wait3A_546 = arith.constant 0 : i32
    %dma_wait3A_547 = arith.constant 0 : i32
    %dma_wait3A_548 = arith.constant 0 : i32
    %dma_wait3A_549 = arith.constant 0 : i32
    %dma_wait3A_550 = tpu.memref_slice %arg15[%dma_wait3A_546, %dma_wait3A_548, %dma_wait3A_549] : memref<3x128x128xf32, #tpu.memory_space<vmem>> -> memref<1x128x128xf32, #tpu.memory_space<vmem>>
    %dma_wait3A_551 = tpu.memref_squeeze %dma_wait3A_550 : memref<1x128x128xf32, #tpu.memory_space<vmem>> -> memref<128x128xf32, #tpu.memory_space<vmem>>
    %dma_wait3A_552 = arith.constant 0 : i32
    %dma_wait3A_553 = tpu.memref_slice %arg13[%dma_wait3A_545, %dma_wait3A_552] : memref<4x128xi32, #tpu.memory_space<vmem>> -> memref<1x128xi32, #tpu.memory_space<vmem>>
    %dma_wait3A_554 = tpu.memref_squeeze %dma_wait3A_553 : memref<1x128xi32, #tpu.memory_space<vmem>> -> memref<128xi32, #tpu.memory_space<vmem>>
    %dma_wait3A_555 = arith.constant 0 : i32
    %dma_wait3A_556 = arith.constant 0 : i32
    %dma_wait3A_557 = tpu.memref_slice %arg9[%dma_wait3A_555, %dma_wait3A_556] : memref<1000x128xf32, #tpu.memory_space<hbm>> -> memref<1000x128xf32, #tpu.memory_space<hbm>>
    %dma_wait3A_558 = tpu.memref_slice %arg21[%dma_wait3A_547] : memref<3x!tpu.dma_semaphore, #tpu.memory_space<semaphore_mem>> -> memref<1x!tpu.dma_semaphore, #tpu.memory_space<semaphore_mem>>
    %dma_wait3A_559 = tpu.memref_squeeze %dma_wait3A_558 : memref<1x!tpu.dma_semaphore, #tpu.memory_space<semaphore_mem>> -> memref<!tpu.dma_semaphore, #tpu.memory_space<semaphore_mem>>
    tpu.wait_indirect_dma semaphore(%dma_wait3A_559 : memref<!tpu.dma_semaphore, #tpu.memory_space<semaphore_mem>>) src(%dma_wait3A_557 : memref<1000x128xf32, #tpu.memory_space<hbm>>) dst(%dma_wait3A_551 : memref<128x128xf32, #tpu.memory_space<vmem>>)
    %dma_wait3A_560 = arith.constant 3 : i32
    %dma_wait3A_561 = arith.constant 3 : i32
    %dma_wait3A_562 = arith.constant 0 : i32
    %dma_wait3A_563 = tpu.memref_slice %arg16[%dma_wait3A_561, %dma_wait3A_562] : memref<4x128xf32, #tpu.memory_space<vmem>> -> memref<1x128xf32, #tpu.memory_space<vmem>>
    %dma_wait3A_564 = tpu.memref_squeeze %dma_wait3A_563 : memref<1x128xf32, #tpu.memory_space<vmem>> -> memref<128xf32, #tpu.memory_space<vmem>>
    %dma_wait3A_565 = arith.constant 0 : i32
    %dma_wait3A_566 = tpu.memref_slice %arg11[%dma_wait3A_560, %dma_wait3A_565] : memref<4x128xi32, #tpu.memory_space<vmem>> -> memref<1x128xi32, #tpu.memory_space<vmem>>
    %dma_wait3A_567 = tpu.memref_squeeze %dma_wait3A_566 : memref<1x128xi32, #tpu.memory_space<vmem>> -> memref<128xi32, #tpu.memory_space<vmem>>
    %dma_wait3A_568 = arith.constant 0 : i32
    %dma_wait3A_569 = tpu.memref_slice %arg5[%dma_wait3A_568] : memref<100000xf32, #tpu.memory_space<hbm>> -> memref<100000xf32, #tpu.memory_space<hbm>>
    tpu.wait_indirect_dma semaphore(%arg22 : memref<!tpu.dma_semaphore, #tpu.memory_space<semaphore_mem>>) src(%dma_wait3A_569 : memref<100000xf32, #tpu.memory_space<hbm>>) dst(%dma_wait3A_564 : memref<128xf32, #tpu.memory_space<vmem>>)
    %dma_wait3A_570 = arith.constant 3 : i32
    %dma_wait3A_571 = arith.constant 3 : i32
    %dma_wait3A_572 = arith.constant 0 : i32
    %dma_wait3A_573 = tpu.memref_slice %arg17[%dma_wait3A_571, %dma_wait3A_572] : memref<4x128xf32, #tpu.memory_space<vmem>> -> memref<1x128xf32, #tpu.memory_space<vmem>>
    %dma_wait3A_574 = tpu.memref_squeeze %dma_wait3A_573 : memref<1x128xf32, #tpu.memory_space<vmem>> -> memref<128xf32, #tpu.memory_space<vmem>>
    %dma_wait3A_575 = arith.constant 0 : i32
    %dma_wait3A_576 = tpu.memref_slice %arg12[%dma_wait3A_570, %dma_wait3A_575] : memref<4x128xi32, #tpu.memory_space<vmem>> -> memref<1x128xi32, #tpu.memory_space<vmem>>
    %dma_wait3A_577 = tpu.memref_squeeze %dma_wait3A_576 : memref<1x128xi32, #tpu.memory_space<vmem>> -> memref<128xi32, #tpu.memory_space<vmem>>
    %dma_wait3A_578 = arith.constant 0 : i32
    %dma_wait3A_579 = tpu.memref_slice %arg6[%dma_wait3A_578] : memref<100000xf32, #tpu.memory_space<hbm>> -> memref<100000xf32, #tpu.memory_space<hbm>>
    tpu.wait_indirect_dma semaphore(%arg22 : memref<!tpu.dma_semaphore, #tpu.memory_space<semaphore_mem>>) src(%dma_wait3A_579 : memref<100000xf32, #tpu.memory_space<hbm>>) dst(%dma_wait3A_574 : memref<128xf32, #tpu.memory_space<vmem>>)
    %scan3A_580 = arith.constant 0 : i32
    %scan3A_581 = arith.constant 0 : i32
    %scan3A_582 = arith.constant 8 : i32
    %scan3A_583 = arith.addi %scan3A_581, %scan3A_582 : i32
    %scan3A_584 = arith.constant 1 : i32
    scf.for %scan3A_594 = %scan3A_581 to %scan3A_583 step %scan3A_584  : i32 {
      %iota3A = tpu.iota {dimensions = array<i32: 0>} : vector<16xi32>
      %broadcast_in_dim3A = arith.constant 0.000000e+00 : f32
      %broadcast_in_dim3A_595 = vector.broadcast %broadcast_in_dim3A : f32 to vector<16xf32>
      %scan3A_596 = arith.constant 0 : i32
      %scan3A_597 = arith.constant 16 : i32
      %scan3A_598 = arith.addi %scan3A_596, %scan3A_597 : i32
      %scan3A_599 = arith.constant 1 : i32
      %scan3A_600 = scf.for %scan3A_620 = %scan3A_596 to %scan3A_598 step %scan3A_599 iter_args(%scan3A_621 = %broadcast_in_dim3A_595) -> (vector<16xf32>)  : i32 {
        %mul3A_622 = arith.constant 16 : i32
        %mul3A_623 = arith.muli %scan3A_594, %mul3A_622 : i32
        %add3A_624 = arith.addi %mul3A_623, %scan3A_620 : i32
        %get3A_625 = arith.constant 1 : i32
        %get3A_626 = arith.index_cast %get3A_625 : i32 to index
        %get3A_627 = arith.index_cast %add3A_624 : i32 to index
        %get3A_628 = arith.constant 0 : index
        %get3A_629 = tpu.vector_load %arg14[%get3A_626, %get3A_627, %get3A_628] {strides = array<i32>} : memref<2x128x128xf32, #tpu.memory_space<vmem>>, vector<16xf32>,
        %get3A_630 = arith.constant 0 : i32
        %get3A_631 = arith.index_cast %get3A_630 : i32 to index
        %get3A_632 = arith.index_cast %add3A_624 : i32 to index
        %get3A_633 = arith.constant 0 : index
        %get3A_634 = tpu.vector_load %arg15[%get3A_631, %get3A_632, %get3A_633] {strides = array<i32>} : memref<3x128x128xf32, #tpu.memory_space<vmem>>, vector<16xf32>,
        %mul3A_635 = arith.mulf %get3A_629, %get3A_634 : vector<16xf32>
        %get3A_636 = arith.constant 1 : i32
        %get3A_637 = arith.index_cast %get3A_636 : i32 to index
        %get3A_638 = arith.index_cast %add3A_624 : i32 to index
        %get3A_639 = arith.constant 16 : index
        %get3A_640 = tpu.vector_load %arg14[%get3A_637, %get3A_638, %get3A_639] {strides = array<i32>} : memref<2x128x128xf32, #tpu.memory_space<vmem>>, vector<16xf32>,
        %get3A_641 = arith.constant 0 : i32
        %get3A_642 = arith.index_cast %get3A_641 : i32 to index
        %get3A_643 = arith.index_cast %add3A_624 : i32 to index
        %get3A_644 = arith.constant 16 : index
        %get3A_645 = tpu.vector_load %arg15[%get3A_642, %get3A_643, %get3A_644] {strides = array<i32>} : memref<3x128x128xf32, #tpu.memory_space<vmem>>, vector<16xf32>,
        %mul3A_646 = arith.mulf %get3A_640, %get3A_645 : vector<16xf32>
        %get3A_647 = arith.constant 1 : i32
        %get3A_648 = arith.index_cast %get3A_647 : i32 to index
        %get3A_649 = arith.index_cast %add3A_624 : i32 to index
        %get3A_650 = arith.constant 32 : index
        %get3A_651 = tpu.vector_load %arg14[%get3A_648, %get3A_649, %get3A_650] {strides = array<i32>} : memref<2x128x128xf32, #tpu.memory_space<vmem>>, vector<16xf32>,
        %get3A_652 = arith.constant 0 : i32
        %get3A_653 = arith.index_cast %get3A_652 : i32 to index
        %get3A_654 = arith.index_cast %add3A_624 : i32 to index
        %get3A_655 = arith.constant 32 : index
        %get3A_656 = tpu.vector_load %arg15[%get3A_653, %get3A_654, %get3A_655] {strides = array<i32>} : memref<3x128x128xf32, #tpu.memory_space<vmem>>, vector<16xf32>,
        %mul3A_657 = arith.mulf %get3A_651, %get3A_656 : vector<16xf32>
        %add3A_658 = arith.addf %mul3A_635, %mul3A_657 : vector<16xf32>
        %get3A_659 = arith.constant 1 : i32
        %get3A_660 = arith.index_cast %get3A_659 : i32 to index
        %get3A_661 = arith.index_cast %add3A_624 : i32 to index
        %get3A_662 = arith.constant 48 : index
        %get3A_663 = tpu.vector_load %arg14[%get3A_660, %get3A_661, %get3A_662] {strides = array<i32>} : memref<2x128x128xf32, #tpu.memory_space<vmem>>, vector<16xf32>,
        %get3A_664 = arith.constant 0 : i32
        %get3A_665 = arith.index_cast %get3A_664 : i32 to index
        %get3A_666 = arith.index_cast %add3A_624 : i32 to index
        %get3A_667 = arith.constant 48 : index
        %get3A_668 = tpu.vector_load %arg15[%get3A_665, %get3A_666, %get3A_667] {strides = array<i32>} : memref<3x128x128xf32, #tpu.memory_space<vmem>>, vector<16xf32>,
        %mul3A_669 = arith.mulf %get3A_663, %get3A_668 : vector<16xf32>
        %add3A_670 = arith.addf %mul3A_646, %mul3A_669 : vector<16xf32>
        %get3A_671 = arith.constant 1 : i32
        %get3A_672 = arith.index_cast %get3A_671 : i32 to index
        %get3A_673 = arith.index_cast %add3A_624 : i32 to index
        %get3A_674 = arith.constant 64 : index
        %get3A_675 = tpu.vector_load %arg14[%get3A_672, %get3A_673, %get3A_674] {strides = array<i32>} : memref<2x128x128xf32, #tpu.memory_space<vmem>>, vector<16xf32>,
        %get3A_676 = arith.constant 0 : i32
        %get3A_677 = arith.index_cast %get3A_676 : i32 to index
        %get3A_678 = arith.index_cast %add3A_624 : i32 to index
        %get3A_679 = arith.constant 64 : index
        %get3A_680 = tpu.vector_load %arg15[%get3A_677, %get3A_678, %get3A_679] {strides = array<i32>} : memref<3x128x128xf32, #tpu.memory_space<vmem>>, vector<16xf32>,
        %mul3A_681 = arith.mulf %get3A_675, %get3A_680 : vector<16xf32>
        %add3A_682 = arith.addf %add3A_658, %mul3A_681 : vector<16xf32>
        %get3A_683 = arith.constant 1 : i32
        %get3A_684 = arith.index_cast %get3A_683 : i32 to index
        %get3A_685 = arith.index_cast %add3A_624 : i32 to index
        %get3A_686 = arith.constant 80 : index
        %get3A_687 = tpu.vector_load %arg14[%get3A_684, %get3A_685, %get3A_686] {strides = array<i32>} : memref<2x128x128xf32, #tpu.memory_space<vmem>>, vector<16xf32>,
        %get3A_688 = arith.constant 0 : i32
        %get3A_689 = arith.index_cast %get3A_688 : i32 to index
        %get3A_690 = arith.index_cast %add3A_624 : i32 to index
        %get3A_691 = arith.constant 80 : index
        %get3A_692 = tpu.vector_load %arg15[%get3A_689, %get3A_690, %get3A_691] {strides = array<i32>} : memref<3x128x128xf32, #tpu.memory_space<vmem>>, vector<16xf32>,
        %mul3A_693 = arith.mulf %get3A_687, %get3A_692 : vector<16xf32>
        %add3A_694 = arith.addf %add3A_670, %mul3A_693 : vector<16xf32>
        %get3A_695 = arith.constant 1 : i32
        %get3A_696 = arith.index_cast %get3A_695 : i32 to index
        %get3A_697 = arith.index_cast %add3A_624 : i32 to index
        %get3A_698 = arith.constant 96 : index
        %get3A_699 = tpu.vector_load %arg14[%get3A_696, %get3A_697, %get3A_698] {strides = array<i32>} : memref<2x128x128xf32, #tpu.memory_space<vmem>>, vector<16xf32>,
        %get3A_700 = arith.constant 0 : i32
        %get3A_701 = arith.index_cast %get3A_700 : i32 to index
        %get3A_702 = arith.index_cast %add3A_624 : i32 to index
        %get3A_703 = arith.constant 96 : index
        %get3A_704 = tpu.vector_load %arg15[%get3A_701, %get3A_702, %get3A_703] {strides = array<i32>} : memref<3x128x128xf32, #tpu.memory_space<vmem>>, vector<16xf32>,
        %mul3A_705 = arith.mulf %get3A_699, %get3A_704 : vector<16xf32>
        %add3A_706 = arith.addf %add3A_682, %mul3A_705 : vector<16xf32>
        %get3A_707 = arith.constant 1 : i32
        %get3A_708 = arith.index_cast %get3A_707 : i32 to index
        %get3A_709 = arith.index_cast %add3A_624 : i32 to index
        %get3A_710 = arith.constant 112 : index
        %get3A_711 = tpu.vector_load %arg14[%get3A_708, %get3A_709, %get3A_710] {strides = array<i32>} : memref<2x128x128xf32, #tpu.memory_space<vmem>>, vector<16xf32>,
        %get3A_712 = arith.constant 0 : i32
        %get3A_713 = arith.index_cast %get3A_712 : i32 to index
        %get3A_714 = arith.index_cast %add3A_624 : i32 to index
        %get3A_715 = arith.constant 112 : index
        %get3A_716 = tpu.vector_load %arg15[%get3A_713, %get3A_714, %get3A_715] {strides = array<i32>} : memref<3x128x128xf32, #tpu.memory_space<vmem>>, vector<16xf32>,
        %mul3A_717 = arith.mulf %get3A_711, %get3A_716 : vector<16xf32>
        %add3A_718 = arith.addf %add3A_694, %mul3A_717 : vector<16xf32>
        %eq3A = vector.broadcast %scan3A_620 : i32 to vector<16xi32>
        %eq3A_719 = arith.cmpi eq, %iota3A, %eq3A : vector<16xi32>
        %add3A_720 = arith.addf %add3A_706, %add3A_718 : vector<16xf32>
        %reduce_sum3A = arith.constant true
        %reduce_sum3A_721 = vector.broadcast %reduce_sum3A : i1 to vector<16xi1>
        %reduce_sum3A_722 = tpu.scan <sum>, %add3A_720 masked %reduce_sum3A_721 : vector<16xf32>, vector<16xi1> -> vector<16xf32>
        %reduce_sum3A_723 = vector.extract %reduce_sum3A_722[15] : f32 from vector<16xf32>
        %broadcast_in_dim3A_724 = vector.broadcast %reduce_sum3A_723 : f32 to vector<16xf32>
        %select_n3A = arith.select %eq3A_719, %broadcast_in_dim3A_724, %scan3A_621 : vector<16xi1>, vector<16xf32>
        scf.yield %select_n3A : vector<16xf32>
      }
      %scan3A_601 = arith.constant 16 : i32
      %mul3A_602 = arith.constant 16 : i32
      %mul3A_603 = arith.muli %scan3A_594, %mul3A_602 : i32
      %get3A = arith.constant 3 : i32
      %get3A_604 = arith.index_cast %get3A : i32 to index
      %get3A_605 = arith.index_cast %mul3A_603 : i32 to index
      %get3A_606 = tpu.vector_load %arg16[%get3A_604, %get3A_605] {strides = array<i32>} : memref<4x128xf32, #tpu.memory_space<vmem>>, vector<16xf32>,
      %add3A_607 = arith.addf %scan3A_600, %get3A_606 : vector<16xf32>
      %mul3A_608 = arith.constant 16 : i32
      %mul3A_609 = arith.muli %scan3A_594, %mul3A_608 : i32
      %get3A_610 = arith.constant 3 : i32
      %get3A_611 = arith.index_cast %get3A_610 : i32 to index
      %get3A_612 = arith.index_cast %mul3A_609 : i32 to index
      %get3A_613 = tpu.vector_load %arg17[%get3A_611, %get3A_612] {strides = array<i32>} : memref<4x128xf32, #tpu.memory_space<vmem>>, vector<16xf32>,
      %add3A_614 = arith.addf %add3A_607, %get3A_613 : vector<16xf32>
      %mul3A_615 = arith.constant 16 : i32
      %mul3A_616 = arith.muli %scan3A_594, %mul3A_615 : i32
      %swap3A = arith.constant 3 : i32
      %swap3A_617 = arith.index_cast %swap3A : i32 to index
      %swap3A_618 = arith.index_cast %mul3A_616 : i32 to index
      %swap3A_619 = tpu.vector_load %arg18[%swap3A_617, %swap3A_618] {strides = array<i32>} : memref<4x128xf32, #tpu.memory_space<vmem>>, vector<16xf32>,
      tpu.vector_store %arg18[%swap3A_617, %swap3A_618], %add3A_614 {strides = array<i32>} : memref<4x128xf32, #tpu.memory_space<vmem>>, vector<16xf32>,
    }
    %scan3A_585 = arith.constant 8 : i32
    %dma_start3A_586 = arith.constant 0 : i32
    %dma_start3A_587 = tpu.memref_slice %arg10[%mul3A_2, %dma_start3A_586] : memref<128x128xf32, #tpu.memory_space<hbm>> -> memref<4x128xf32, #tpu.memory_space<hbm>>
    %dma_start3A_588 = arith.constant 0 : i32
    %dma_start3A_589 = tpu.memref_slice %arg10[%mul3A_2, %dma_start3A_588] : memref<128x128xf32, #tpu.memory_space<hbm>> -> memref<4x128xf32, #tpu.memory_space<hbm>>
    tpu.enqueue_dma source(%arg18 : memref<4x128xf32, #tpu.memory_space<vmem>>) target(%dma_start3A_589 : memref<4x128xf32, #tpu.memory_space<hbm>>) target_semaphore(%arg24 : memref<!tpu.dma_semaphore, #tpu.memory_space<semaphore_mem>>)
    %dma_wait3A_590 = arith.constant 0 : i32
    %dma_wait3A_591 = tpu.memref_slice %arg10[%mul3A_2, %dma_wait3A_590] : memref<128x128xf32, #tpu.memory_space<hbm>> -> memref<4x128xf32, #tpu.memory_space<hbm>>
    %dma_wait3A_592 = arith.constant 0 : i32
    %dma_wait3A_593 = tpu.memref_slice %arg10[%mul3A_2, %dma_wait3A_592] : memref<128x128xf32, #tpu.memory_space<hbm>> -> memref<4x128xf32, #tpu.memory_space<hbm>>
    tpu.wait_dma2 semaphore(%arg24 : memref<!tpu.dma_semaphore, #tpu.memory_space<semaphore_mem>>) src(%arg18 : memref<4x128xf32, #tpu.memory_space<vmem>>) dst(%dma_wait3A_593 : memref<4x128xf32, #tpu.memory_space<hbm>>)
    return
  }
}

</mosaic_0001>

<sc_bundles>
// kernel: kernel.3.cloned.1.call-start
scs
__scs_entry_jumppad:
0x0: {  	(pc) =	sbr.rel $0x88, $3  }
0x1: {  	(tag) =	ssettag $0x0;
	lr =	simm.s32 $0x1  }
0x2: {  	[smem:$0x3F99] =	sst lr;
	_ =	strace $0xD0000000  }
0x3: {  	_ = 	snop  }
0x4: {  	_ = 	snop  }
0x5: {  	_ = 	snop  }
0x6: {  	_ = 	snop  }
0x7: {  	_ = 	snop  }
__scs_overlays_trampoline_lowered:
0x8: {  	[smem:$0x3FA8] =	sst s0  }
0x9: {  	[smem:$0x3FA9] =	sst s1  }
0xa: {  	[smem:$0x3FAA] =	sst s2  }
0xb: {  	[smem:$0x3FAB] =	sst s3  }
0xc: {  	[smem:$0x3FAC] =	sst s4  }
0xd: {  	[smem:$0x3FAD] =	sst s5  }
0xe: {  	[smem:$0x3FAE] =	sst s6  }
0xf: {  	[smem:$0x3FAF] =	sst s7  }
0x10: {  	[smem:$0x3FB0] =	sst s8  }
0x11: {  	[smem:$0x3FB1] =	sst s9;
	s0 =	simm.s32 @!p0 $0x0  }
0x12: {  	s1 =	sld [smem:$0x3F97];
	s0 =	simm.s32 @p0 $0x1  }
0x13: {  	[smem:$0x3FB2] =	sst s0;
	s0 =	simm.s32 @!p1 $0x0  }
0x14: {  	s2 =	sld [smem:$0x3F96];
	s0 =	simm.s32 @p1 $0x1  }
0x15: {  	[smem:$0x3FB3] =	sst s0;
	s0 =	simm.s32 @!p2 $0x0  }
0x16: {  	s3 =	sld [smem:$0x3FDB];
	s0 =	simm.s32 @p2 $0x1  }
0x17: {  	s4 =	simm.s32 $0x1BF5;
	[smem:$0x3FB5] =	sst s0  }
0x18: {  	s0 =	sld [smem:$0x3F98];
	_ =	swait.ge [sflag:s4], $0x0  }
0x19: {  	s7 =	sld [smem:$0x3F99]  }
0x1a: {  	s8 =	sadd.s32 $0xFFFFE003, lr  }
0x1b: {  	s9 =	sadd.s32 $0xFFFFFEF7, lr;
	s5 =	simm.s32 $0xFFFFFFFF;
	p2 =	slt.u32 s8, $0xFFFFF086  }
0x1c: {  	p1 =	slt.u32 s9, $0xF7A;
	s5 =	simm.s32 @!p2 $0x0  }
0x1d: {  	s5 =	simm.s32 @p1 $0x1;
	p0 =	seq.s32 s7, s2  }
0x1e: {  	s7 =	smul.u32 @!p0 $0xF7A, s2;
	p2 =	seq.s32 @!p0 s5, $0x0  }
0x1f: {  	s9 =	smul.u32 $0xF7A, s1;
	s8 =	simm.s32 @!p0 $0x1BF5;
	p2 =	por !p2, p0  }
0x20: {  	[sflag:s8] =	ssyncset.s32 @!p0 $0xFFFFF086;
	s6 =	sadd.s32 @!p0 s3, s7;
	s7 =	simm.s32 @!p0 $0x108  }
0x21: {  	s3 =	sadd.s32 s3, s9;
	s6 =	sadd.s32 @!p0 $0x88, s6;
	s7 =	simm.s32 @p2 $0x1082  }
0x22: {  	[simem:s7], [sflag:s8] =	dma.local @!p0 [hbm:s6], $0xF7A  }
0x23: {  	s9 =	sor.u32 $0xD0000000, s2;
	s6 =	simm.s32 $0x108;
	_ =	swait.ge @!p0 [sflag:s8], $0x0  }
0x24: {  	s3 =	sadd.s32 $0x88, s3;
	s6 =	simm.s32 @!p1 $0x1082;
	[sflag:s4] =	ssyncset.s32 $0xFFFFF086  }
0x25: {  	[simem:s6], [sflag:s4] =	dma.local [hbm:s3], $0xF7A  }
0x26: {  	[smem:$0x3F99] =	sst s1;
	(tag) =	ssettag s2;
	_ =	strace s9  }
0x27: {  	s1 =	sld [smem:$0x3FA9]  }
0x28: {  	s2 =	sld [smem:$0x3FAA]  }
0x29: {  	s4 =	sld [smem:$0x3FAC]  }
0x2a: {  	p0 =	seq.s32 s5, $0x0;
	s5 =	sld [smem:$0x3FAD]  }
0x2b: {  	s6 =	sld [smem:$0x3FAE]  }
0x2c: {  	s7 =	sld [smem:$0x3FAF]  }
0x2d: {  	s3 =	simm.s32 $0x108;
	s8 =	sld [smem:$0x3FB0]  }
0x2e: {  	s3 =	simm.s32 @!p0 $0x1082;
	s9 =	sld [smem:$0x3FB1]  }
0x2f: {  	lr =	sadd.s32 s0, s3;
	s0 =	sld [smem:$0x3FA8]  }
0x30: {  	s3 =	sld [smem:$0x3FAB]  }
0x31: {  	[smem:$0x3FB4] =	sst s10  }
0x32: {  	s10 =	sld [smem:$0x3FB2];
	_ =	sdelay $0x3  }
0x33: {  	p0 =	seq.s32 s10, $0x1;
	s10 =	sld [smem:$0x3FB4];
	_ =	sdelay $0x3  }
0x34: {  	[smem:$0x3FB4] =	sst s10  }
0x35: {  	s10 =	sld [smem:$0x3FB3];
	_ =	sdelay $0x3  }
0x36: {  	p1 =	seq.s32 s10, $0x1;
	s10 =	sld [smem:$0x3FB4];
	_ =	sdelay $0x3  }
0x37: {  	[smem:$0x3FB4] =	sst s10  }
0x38: {  	s10 =	sld [smem:$0x3FB5]  }
0x39: {  	_ = 	snop;
	(pc) =	sbr.ind lr, $3  }
0x3a: {  	_ = 	snop  }
0x3b: {  	_ = 	snop  }
0x3c: {  	p2 =	seq.s32 s10, $0x1;
	s10 =	sld [smem:$0x3FB4]  }
0x3d: {  	_ =	shalt  }
0x3e: {  	_ =	shalt  }
0x3f: {  	_ =	shalt  }
0x40: {  	_ =	shalt  }
0x41: {  	_ =	shalt  }
0x42: {  	_ =	shalt  }
0x43: {  	_ =	shalt  }
0x44: {  	_ =	shalt  }
0x45: {  	_ =	shalt  }
0x46: {  	_ =	shalt  }
0x47: {  	_ =	shalt  }
0x48: {  	_ =	shalt  }
0x49: {  	_ =	shalt  }
0x4a: {  	_ =	shalt  }
0x4b: {  	_ =	shalt  }
0x4c: {  	_ =	shalt  }
0x4d: {  	_ =	shalt  }
0x4e: {  	_ =	shalt  }
0x4f: {  	_ =	shalt  }
0x50: {  	_ =	shalt  }
0x51: {  	_ =	shalt  }
0x52: {  	_ =	shalt  }
0x53: {  	_ =	shalt  }
0x54: {  	_ =	shalt  }
0x55: {  	_ =	shalt  }
0x56: {  	_ =	shalt  }
0x57: {  	_ =	shalt  }
0x58: {  	_ =	shalt  }
0x59: {  	_ =	shalt  }
0x5a: {  	_ =	shalt  }
0x5b: {  	_ =	shalt  }
0x5c: {  	_ =	shalt  }
0x5d: {  	_ =	shalt  }
0x5e: {  	_ =	shalt  }
0x5f: {  	_ =	shalt  }
0x60: {  	_ =	shalt  }
0x61: {  	_ =	shalt  }
0x62: {  	_ =	shalt  }
0x63: {  	_ =	shalt  }
0x64: {  	_ =	shalt  }
0x65: {  	_ =	shalt  }
0x66: {  	_ =	shalt  }
0x67: {  	_ =	shalt  }
0x68: {  	_ =	shalt  }
0x69: {  	_ =	shalt  }
0x6a: {  	_ =	shalt  }
0x6b: {  	_ =	shalt  }
0x6c: {  	_ =	shalt  }
0x6d: {  	_ =	shalt  }
0x6e: {  	_ =	shalt  }
0x6f: {  	_ =	shalt  }
0x70: {  	_ =	shalt  }
0x71: {  	_ =	shalt  }
0x72: {  	_ =	shalt  }
0x73: {  	_ =	shalt  }
0x74: {  	_ =	shalt  }
0x75: {  	_ =	shalt  }
0x76: {  	_ =	shalt  }
0x77: {  	_ =	shalt  }
0x78: {  	_ =	shalt  }
0x79: {  	_ =	shalt  }
0x7a: {  	_ =	shalt  }
0x7b: {  	_ =	shalt  }
0x7c: {  	_ =	shalt  }
0x7d: {  	_ =	shalt  }
0x7e: {  	_ =	shalt  }
0x7f: {  	_ =	shalt  }
0x80: {  	_ =	shalt  }
0x81: {  	_ =	shalt  }
0x82: {  	_ =	shalt  }
0x83: {  	_ =	shalt  }
0x84: {  	_ =	shalt  }
0x85: {  	_ =	shalt  }
0x86: {  	_ =	shalt  }
0x87: {  	_ =	shalt  }
.Lfunc_end0:
.L_simem_size_0:
called_computation_lowered:
.L_overlay_start_0:
0x88: {  	s2 =	sld [smem:$0x3FD9]  }
0x89: {  	s3 =	sld [smem:$0x3FFE];
	_ =	sdelay $0x1  }
0x8a: {  	s1 =	srdreg.scid  }
0x8b: {  	s0 =	sand.u32 $0x1, s1  }
0x8c: {  	s17 =	sshll.u32 s0, $0xA;
	s2 =	sadd.s32 s3, s2  }
0x8d: {  	s2 =	sadd.s32 s2, s17  }
0x8e: {  	[smem:$0x3FC0] =	sst s2  }
0x8f: {  	_ = 	snop  }
0x90: {  	s2 =	sld [smem:$0x3FC9]  }
0x91: {  	s18 =	sld [smem:$0x3FC8]  }
0x92: {  	s4 =	sld [smem:$0x3FC7]  }
0x93: {  	s5 =	sld [smem:$0x3FC4]  }
0x94: {  	s6 =	sld [smem:$0x3FC3]  }
0x95: {  	s7 =	sld [smem:$0x3FC2]  }
0x96: {  	s8 =	sld [smem:$0x3FD0];
	(tm) =	ssettm $0x1  }
0x97: {  	s9 =	sld [smem:$0x3FFB];
	_ =	sdelay $0x3  }
0x98: {  	_ =	strace s9  }
0x99: {  	s9 =	sld [smem:$0x3FFC];
	_ =	sdelay $0x3  }
0x9a: {  	_ =	strace s9  }
0x9b: {  	s9 =	sld [smem:$0x3FFD];
	_ =	sdelay $0x3  }
0x9c: {  	_ =	strace s9  }
0x9d: {  	_ =	strace $0x8FFFFFFF  }
0x9e: {  	s19 =	sld [smem:$0x3FDB];
	_ =	sdelay $0x1  }
0x9f: {  	s10 =	simm.s32 $_scs_section_size  }
0xa0: {  	s11 =	simm.s32 $_size__tile_overlayer_lowered;
	s12 =	simm.s32 $_tile_overlayer_lowered  }
0xa1: {  	s22 =	simm.s32 $0x1BFF;
	s21 =	sshll.u32 s12, $0x1;
	s9 =	sadd.s32 s10, s19  }
0xa2: {  	s13 =	simm.s32 $0x0;
	s20 =	sshll.u32 s11, $0x1;
	s11 =	sadd.s32 s21, s9  }
0xa3: {  	[timem:s13], [sflag:s22] =	dma.local [hbm:s11], s20  }
0xa4: {  	_ =	swait.ge [sflag:s22], s20  }
0xa5: {  	s10 =	ssub.s32 $0x0, s20;
	[sflag:s22] =	ssyncset.done $0x0  }
0xa6: {  	[sflag:s22] =	ssyncadd.s32 s10;
	_ =	sdelay $0x1  }
0xa7: {  	s23 =	simm.s32 $0x1B8B  }
0xa8: {  	_ =	swait.ge [sflag:s23], $0x1  }
0xa9: {  	[sflag:s23] =	ssyncset.done $0x0  }
0xaa: {  	s25 =	simm.s32 $0x1B8E;
	s24 =	sld [smem:$0x3FFE];
	[sflag:s23] =	ssyncadd.s32 $0xFFFFFFFF  }
0xab: {  	s26 =	simm.s32 $execute0_lowered;
	[smem:$0x3FD2] =	sst s25  }
0xac: {  	s11 =	sshll.u32 s26, $0x1;
	_ =	strace $0x80000046;
	[dreg:$0x1] =	wrdreg $0xFFFFFFFF  }
0xad: {  	s28 =	simm.s32 $_size_execute0_lowered;
	s9 =	sadd.s32 s9, s11;
	[dreg:$0x0] =	wrdreg $0x0  }
0xae: {  	s11 =	sshll.u32 s28, $0x1;
	[dreg:$0x2] =	wrdreg s9  }
0xaf: {  	[dreg:$0x3] =	wrdreg s11  }
0xb0: {  	[dreg:$0x4] =	wrdreg $0xC0  }
0xb1: {  	_ =	task [dreg:s13], $0x5FFFF  }
0xb2: {  	[dreg:$0x1] =	wrdreg $0xFFFFFFFF  }
0xb3: {  	[dreg:$0x0] =	wrdreg $0x60  }
0xb4: {  	[dreg:$0x2] =	wrdreg s2  }
0xb5: {  	[dreg:$0x3] =	wrdreg s18  }
0xb6: {  	[dreg:$0x4] =	wrdreg s4  }
0xb7: {  	[dreg:$0x5] =	wrdreg s24  }
0xb8: {  	[dreg:$0x6] =	wrdreg s5  }
0xb9: {  	[dreg:$0x7] =	wrdreg s6  }
0xba: {  	[dreg:$0x8] =	wrdreg s7  }
0xbb: {  	[dreg:$0x9] =	wrdreg s8  }
0xbc: {  	[dreg:$0xa] =	wrdreg $0x9  }
0xbd: {  	_ =	task.clear_ibuf [dreg:s13], $0xBFFFF;
	_ =	strace $0x90000046  }
0xbe: {  	s29 =	simm.s32 $0x9;
	_ =	strace $0x80000048  }
0xbf: {  	_ =	swait.ge [sflag:s29], $0x1  }
0xc0: {  	[sflag:s29] =	ssyncadd.s32 $0xFFFFFFFF  }
0xc1: {  	_ =	strace $0x90000048  }
0xc2: {  	_ =	sfence  }
0xc3: {  	s30 =	sld [smem:$0x0];
	_ =	sdelay $0x2  }
0xc4: {  	s31 =	sshll.u32 s1, $0xD;
	s1 =	sshrl.u32 s1, $0x2  }
0xc5: {  	s3 =	sand.u32 $0x4000, s31;
	s1 =	sadd.s32 s1, s30  }
0xc6: {  	s0 =	sor.u32 s3, s0;
	s1 =	sshll.u32 s1, $0x11  }
0xc7: {  	s0 =	sor.u32 s1, s0  }
0xc8: {  	s0 =	sadd.s32 $0x8F2B, s0  }
0xc9: {  	[sflag:s0] =	ssyncadd.remote.s32 $0x1  }
0xca: {  	_ =	sfence.sel $0xFFFF  }
0xcb: {  	[dreg:$0x0] =	wrdreg $0xFFFFFFFF;
	(pc) =	sbr.abs _section_cstart, $3  }
0xcc: {  	[dreg:$0x1] =	wrdreg $0xFFFFFFFF  }
0xcd: {  	_ =	task.clear_ibuf [dreg:s13], $0x2FFFF;
	_ =	strace $0x9FFFFFFF  }
0xce: {  	(tm) =	ssettm $0x7FFFFFFF  }
0xcf: {  	_ =	shalt  }
tec
execute0_lowered:
.L_overlay_start_1:
0x0: {  	(tag) =	ssettag $0x1  }
0x1: {  	s0 =	rddreg [dreg:$0x0]  }
0x2: {  	s5 =	rddreg [dreg:$0x1]  }
0x3: {  	s8 =	rddreg [dreg:$0x2]  }
0x4: {  	s1 =	rddreg [dreg:$0x3]  }
0x5: {  	s2 =	rddreg [dreg:$0x4]  }
0x6: {  	s3 =	rddreg [dreg:$0x5]  }
0x7: {  	s4 =	rddreg [dreg:$0x6]  }
0x8: {  	s9 =	rddreg [dreg:$0x7];
	s6 =	simm.s32 $0x0;
	s7 =	srdreg.scid  }
0x9: {  	s11 =	stileid.u32;
	s15 =	simm.s32 $0xA;
	s16 =	simm.s32 $0x80  }
0xa: {  	s31 =	simm.s32 $0x4600;
	s25 =	simm.s32 $0xB;
	s19 =	simm.s32 $0x380  }
0xb: {  	s22 =	simm.s32 $0xC;
	s24 =	simm.s32 $0x3;
	s17 =	simm.s32 $0x1  }
0xc: {  	s20 =	simm.s32 $0x6;
	s14 =	simm.s32 $0x5;
	s18 =	simm.s32 $0x2  }
0xd: {  	s21 =	simm.s32 $0x7;
	s23 =	simm.s32 $0xD;
	s7 =	sand.u32 $0x1, s7  }
0xe: {  	[smem:$0x7FF] =	sst s6;
	s11 =	sshll.u32 s11, $0x7;
	s12 =	sshll.u32 s7, $0x6  }
0xf: {  	_ =	strace $0x80000047;
	s10 =	ssub.s32 $0x2, s7;
	s11 =	sor.u32 s12, s11  }
0x10: {  	s7 =	sadd.s32 $0x3200, s1;
	s13 =	sshrl.u32 s10, $0x1;
	s0 =	sadd.s32 s0, s11  }
0x11: {  	s10 =	ssub.s32 s10, s13;
	s26 =	sadd.s32 s5, s11;
	[dreg:$0x9] =	wrdreg s0  }
0x12: {  	s28 =	sadd.s32 s8, s11;
	s29 =	sadd.s32 s9, s11;
	[dreg:$0xa] =	wrdreg s26  }
0x13: {  	s13 =	simm.s32 $0x200;
	s5 =	simm.s32 $0x9;
	[dreg:$0xb] =	wrdreg s28  }
0x14: {  	s8 =	simm.s32 $0x8;
	[dreg:$0xc] =	wrdreg s29;
	s30 =	smax.u32 s10, $0x1  }
0x15: {  	v0 =	vlaneseq.u32;
	s9 =	simm.s32 $0x0;
	s0 =	simm.s32 $0x4;
	[dreg:$0xd] =	wrdreg s30  }
.LBB2_1:
0x16: {  	s10 =	rddreg [dreg:$0x9]  }
0x17: {  	[tilespmem:s6], [sflag:$0xA] =	stream.linear.gather [hbm4b:s10+s6], $0x200, $0x38;
	[tilespmem:$0x14C00] =	vst v63  }
0x18: {  	s28 =	rddreg [dreg:$0xa]  }
0x19: {  	[tilespmem:s13], [sflag:$0xB] =	stream.linear.gather [hbm4b:s28+s6], $0x200, $0x38;
	[tilespmem:$0x14C00] =	vst v63  }
0x1a: {  	s29 =	rddreg [dreg:$0xb];
	s11 =	simm.s32 $0x400  }
0x1b: {  	[tilespmem:s11], [sflag:$0xC] =	stream.linear.gather [hbm4b:s29+s6], $0x200, $0x38;
	[tilespmem:$0x14C00] =	vst v63  }
0x1c: {  	_ =	swait.ge [sflag:s15], $0x200  }
0x1d: {  	[sflag:s15] =	ssyncset.done $0x0  }
0x1e: {  	s30 =	simm.s32 $0x600;
	[sflag:s15] =	ssyncadd.s32 $0xFFFFFE00  }
0x1f: {  	[tilespmem:s30], [sflag:$0x1] =	stream.indirect.gather [hbm4b:s2+s16], $0x80, s6, s16, $0xb8;
	[tilespmem:$0x14C00] =	vst v63  }
0x20: {  	_ = 	snop  }
0x21: {  	[tilespmem:s31], [sflag:$0x2] =	stream.indirect.gather [hbm4b:s2+s16], $0x80, s16, s16, $0xb8;
	[tilespmem:$0x14C00] =	vst v63  }
0x22: {  	s31 =	simm.s32 $0x14600  }
0x23: {  	[tilespmem:s31], [sflag:$0x9] =	stream.indirect.gather [hbm4b:s1+s16], $0x1, s6, s16, $0xb8;
	[tilespmem:$0x14C00] =	vst v63  }
0x24: {  	s12 =	simm.s32 $0x14680  }
0x25: {  	[tilespmem:s12], [sflag:$0x9] =	stream.indirect.gather [hbm4b:s1+s16], $0x1, s16, s16, $0xb8;
	[tilespmem:$0x14C00] =	vst v63  }
0x26: {  	s26 =	simm.s32 $0x100;
	s12 =	simm.s32 $0x14700  }
0x27: {  	[tilespmem:s12], [sflag:$0x9] =	stream.indirect.gather [hbm4b:s1+s16], $0x1, s26, s16, $0xb8;
	[tilespmem:$0x14C00] =	vst v63  }
0x28: {  	s28 =	simm.s32 $0x180;
	s29 =	simm.s32 $0x14780  }
0x29: {  	[tilespmem:s29], [sflag:$0x9] =	stream.indirect.gather [hbm4b:s1+s16], $0x1, s28, s16, $0xb8;
	[tilespmem:$0x14C00] =	vst v63  }
0x2a: {  	_ =	swait.ge [sflag:s25], $0x200  }
0x2b: {  	[sflag:s25] =	ssyncset.done $0x0  }
0x2c: {  	s10 =	simm.s32 $0x8600;
	[sflag:s25] =	ssyncadd.s32 $0xFFFFFE00  }
0x2d: {  	[tilespmem:s10], [sflag:$0x3] =	stream.indirect.gather [hbm4b:s3+s16], $0x80, s13, s16, $0xb8;
	[tilespmem:$0x14C00] =	vst v63  }
0x2e: {  	s12 =	simm.s32 $0x280;
	s26 =	simm.s32 $0xC600  }
0x2f: {  	[tilespmem:s26], [sflag:$0x4] =	stream.indirect.gather [hbm4b:s3+s16], $0x80, s12, s16, $0xb8;
	[tilespmem:$0x14C00] =	vst v63  }
0x30: {  	s28 =	simm.s32 $0x300;
	s29 =	simm.s32 $0x10600  }
0x31: {  	[tilespmem:s29], [sflag:$0x5] =	stream.indirect.gather [hbm4b:s3+s16], $0x80, s28, s16, $0xb8;
	[tilespmem:$0x14C00] =	vst v63  }
0x32: {  	s30 =	simm.s32 $0x14800  }
0x33: {  	[tilespmem:s30], [sflag:$0x9] =	stream.indirect.gather [hbm4b:s7+s16], $0x1, s13, s16, $0xb8;
	[tilespmem:$0x14C00] =	vst v63  }
0x34: {  	s31 =	simm.s32 $0x14880  }
0x35: {  	[tilespmem:s31], [sflag:$0x9] =	stream.indirect.gather [hbm4b:s7+s16], $0x1, s12, s16, $0xb8;
	[tilespmem:$0x14C00] =	vst v63  }
0x36: {  	s29 =	simm.s32 $0x14900  }
0x37: {  	[tilespmem:s29], [sflag:$0x9] =	stream.indirect.gather [hbm4b:s7+s16], $0x1, s28, s16, $0xb8;
	[tilespmem:$0x14C00] =	vst v63  }
0x38: {  	s30 =	simm.s32 $0x14980  }
0x39: {  	[tilespmem:s30], [sflag:$0x9] =	stream.indirect.gather [hbm4b:s7+s16], $0x1, s19, s16, $0xb8;
	[tilespmem:$0x14C00] =	vst v63  }
0x3a: {  	_ =	swait.ge [sflag:s22], $0x200  }
0x3b: {  	[sflag:s22] =	ssyncset.done $0x0  }
0x3c: {  	[sflag:s22] =	ssyncadd.s32 $0xFFFFFE00  }
0x3d: {  	_ =	swait.ge [sflag:s24], $0x4000  }
0x3e: {  	[sflag:s24] =	ssyncset.done $0x0  }
0x3f: {  	[sflag:s24] =	ssyncadd.s32 $0xFFFFC000  }
0x40: {  	[tilespmem:s10], [sflag:$0x6] =	stream.indirect.gather.add.f32 [hbm:s4], $0x80, s11, s16, $0xb8;
	[tilespmem:$0x14C00] =	vst v63  }
0x41: {  	_ =	swait.ge [sflag:s0], $0x4000  }
0x42: {  	[sflag:s0] =	ssyncset.done $0x0  }
0x43: {  	s31 =	simm.s32 $0x480;
	[sflag:s0] =	ssyncadd.s32 $0xFFFFC000  }
0x44: {  	[tilespmem:s26], [sflag:$0x7] =	stream.indirect.gather.add.f32 [hbm:s4], $0x80, s31, s16, $0xb8;
	[tilespmem:$0x14C00] =	vst v63  }
0x45: {  	_ =	swait.ge [sflag:s17], $0x4000  }
0x46: {  	[sflag:s17] =	ssyncset.done $0x0  }
0x47: {  	[sflag:s17] =	ssyncadd.s32 $0xFFFFC000  }
0x48: {  	_ =	swait.ge [sflag:s20], $0x4000  }
0x49: {  	[sflag:s20] =	ssyncset.done $0x0  }
0x4a: {  	[sflag:s20] =	ssyncadd.s32 $0xFFFFC000  }
0x4b: {  	_ =	swait.ge [sflag:s5], $0x80  }
0x4c: {  	[sflag:s5] =	ssyncset.done $0x0  }
0x4d: {  	[sflag:s5] =	ssyncadd.s32 $0xFFFFFF80  }
0x4e: {  	_ =	swait.ge [sflag:s5], $0x80  }
0x4f: {  	s12 =	simm.s32 $0x0;
	[sflag:s5] =	ssyncset.done $0x0  }
0x50: {  	s10 =	simm.s32 $0x640;
	s11 =	simm.s32 $0x8640;
	[sflag:s5] =	ssyncadd.s32 $0xFFFFFF80  }
.LBB2_2:
0x51: {  	v1 =	vld [tilespmem:s10+$0x20]  }
0x52: {  	v6 =	vld [tilespmem:s11+$0x20]  }
0x53: {  	v3 =	vld [tilespmem:s10+$0x0]  }
0x54: {  	v4 =	vld [tilespmem:s11+$0x0]  }
0x55: {  	v2 =	vld [tilespmem:s10+$0xFFFFFFC0]  }
0x56: {  	v5 =	vld [tilespmem:s11+$0xFFFFFFC0]  }
0x57: {  	v7 =	vld [tilespmem:s10+$0xFFFFFFD0]  }
0x58: {  	v8 =	vld [tilespmem:s11+$0xFFFFFFD0]  }
0x59: {  	v9 =	vld [tilespmem:s10+$0xFFFFFFE0]  }
0x5a: {  	v10 =	vld [tilespmem:s11+$0xFFFFFFE0]  }
0x5b: {  	v11 =	vld [tilespmem:s10+$0xFFFFFFF0]  }
0x5c: {  	v12 =	vld [tilespmem:s11+$0xFFFFFFF0]  }
0x5d: {  	v13 =	vld [tilespmem:s10+$0x10]  }
0x5e: {  	v14 =	vld [tilespmem:s11+$0x10]  }
0x5f: {  	v15 =	vld [tilespmem:s10+$0x30]  }
0x60: {  	v16 =	vld [tilespmem:s11+$0x30];
	s26 =	sadd.s32 $0x80, s10;
	v17 =	vmul.f32 v5, v2;
	v7 =	vmul.f32 v8, v7  }
0x61: {  	s28 =	sadd.s32 $0x80, s11;
	v2 =	vld [tilespmem:s26+$0x20];
	v8 =	vmul.f32 v10, v9;
	v9 =	vmul.f32 v12, v11  }
0x62: {  	v5 =	vld [tilespmem:s28+$0x20];
	v10 =	vmul.f32 v4, v3  }
0x63: {  	v3 =	vld [tilespmem:s26+$0x0];
	v8 =	vadd.f32 v8, v17;
	v7 =	vadd.f32 v9, v7;
	v9 =	vmul.f32 v14, v13  }
0x64: {  	v4 =	vld [tilespmem:s28+$0x0];
	v1 =	vmul.f32 v6, v1  }
0x65: {  	v6 =	vld [tilespmem:s26+$0xFFFFFFC0];
	v11 =	vmul.f32 v16, v15;
	v10 =	vadd.f32 v10, v8;
	v9 =	vadd.f32 v9, v7  }
0x66: {  	v12 =	vld [tilespmem:s26+$0xFFFFFFF0]  }
0x67: {  	v7 =	vld [tilespmem:s28+$0xFFFFFFC0];
	v1 =	vadd.f32 v1, v10;
	v11 =	vadd.f32 v11, v9  }
0x68: {  	v8 =	vld [tilespmem:s26+$0xFFFFFFD0]  }
0x69: {  	v10 =	vld [tilespmem:s28+$0xFFFFFFD0];
	v13 =	vadd.f32 v11, v1  }
0x6a: {  	v9 =	vld [tilespmem:s26+$0xFFFFFFE0]  }
0x6b: {  	v11 =	vld [tilespmem:s28+$0xFFFFFFE0];
	(xrf2) =	vadd.scan.msk.f32 $0xffff, v13  }
0x6c: {  	s30 =	simm.s32 $0x0;
	s29 =	simm.s32 $0x1;
	s31 =	simm.s32 $0x2;
	v1 =	vimm.f32 $0.0e+00;
	v13 =	vld [tilespmem:s28+$0xFFFFFFF0]  }
.LBB2_3:
0x6d: {  	p0 =	sne.s32 s31, $0xF;
	v14 =	vld [tilespmem:s26+$0x10]  }
0x6e: {  	v15 =	vld [tilespmem:s28+$0x10]  }
0x6f: {  	v16 =	vld [tilespmem:s26+$0x30]  }
0x70: {  	v6 =	vmul.f32 v7, v6;
	v7 =	vmul.f32 v10, v8;
	s26 =	sadd.s32 $0x80, s26;
	v8 =	vld [tilespmem:s28+$0x30]  }
0x71: {  	v9 =	vmul.f32 v11, v9;
	s28 =	sadd.s32 $0x80, s28;
	v10 =	vld [tilespmem:s26+$0x20];
	v11 =	vmul.f32 v13, v12  }
0x72: {  	v13 =	vmul.f32 v4, v3;
	v12 =	vld [tilespmem:s28+$0x20]  }
0x73: {  	v9 =	vadd.f32 v9, v6;
	v3 =	vld [tilespmem:s26+$0x0];
	v7 =	vadd.f32 v11, v7;
	v11 =	vmul.f32 v15, v14  }
0x74: {  	v17 =	vmul.f32 v5, v2;
	v4 =	vld [tilespmem:s28+$0x0]  }
0x75: {  	v9 =	vadd.f32 v13, v9;
	v6 =	vld [tilespmem:s26+$0xFFFFFFC0];
	v11 =	vadd.f32 v11, v7;
	v13 =	vmul.f32 v8, v16;
	v2, _, _ =	vpop (xrf2)  }
0x76: {  	v14 =	vmov s30;
	s30 =	smov.u32 s29;
	s29 =	smov.u32 s31;
	v7 =	vld [tilespmem:s28+$0xFFFFFFC0];
	v15 =	vbroadcast v2, $0xF;
	v2 =	vmov v10  }
0x77: {  	vm0 =	veq.s32 v14, v0;
	v16 =	vadd.f32 v17, v9;
	v8 =	vld [tilespmem:s26+$0xFFFFFFD0];
	v11 =	vadd.f32 v13, v11;
	v5 =	vmovc v12  }
.Ltmp0:
0x78: {  	v10 =	vld [tilespmem:s28+$0xFFFFFFD0];
	v1 =	vsel vm0, v15, v1;
	(pc) =	sbr.rel @p0 .LBB2_3-.Ltmp0, $4  }
0x79: {  	v9 =	vld [tilespmem:s26+$0xFFFFFFE0];
	v13 =	vadd.f32 v11, v16  }
0x7a: {  	v11 =	vld [tilespmem:s28+$0xFFFFFFE0]  }
0x7b: {  	v12 =	vld [tilespmem:s26+$0xFFFFFFF0];
	(xrf2) =	vadd.scan.msk.f32 $0xffff, v13  }
0x7c: {  	s31 =	sadd.s32 $0x1, s31;
	v13 =	vld [tilespmem:s28+$0xFFFFFFF0]  }
0x7d: {  	v14 =	vld [tilespmem:s26+$0x10]  }
0x7e: {  	v15 =	vld [tilespmem:s28+$0x10]  }
0x7f: {  	v16 =	vld [tilespmem:s26+$0x30]  }
0x80: {  	v6 =	vmul.f32 v7, v6;
	v52 =	vmul.f32 v10, v8;
	v53 =	vld [tilespmem:s28+$0x30]  }
0x81: {  	v9 =	vmul.f32 v11, v9;
	v54 =	vmul.f32 v13, v12  }
0x82: {  	v3 =	vmul.f32 v4, v3  }
0x83: {  	v55 =	vadd.f32 v9, v6;
	v57 =	vmul.f32 v15, v14;
	v56 =	vadd.f32 v54, v52  }
0x84: {  	v2 =	vmul.f32 v5, v2  }
0x85: {  	v59 =	vmul.f32 v53, v16;
	v3 =	vadd.f32 v3, v55;
	v58 =	vadd.f32 v57, v56;
	_ =	sdelay $0x1  }
0x86: {  	v2 =	vadd.f32 v2, v3;
	v3 =	vadd.f32 v59, v58;
	_ =	sdelay $0x1  }
0x87: {  	v2 =	vadd.f32 v3, v2;
	_ =	sdelay $0x1  }
0x88: {  	(xrf2) =	vadd.scan.msk.f32 $0xffff, v2;
	_ =	sdelay $0x7  }
0x89: {  	s31 =	sshll.u32 s12, $0x4  }
0x8a: {  	v3 =	vld [tilespmem:s31+$0x14600];
	v2, _, _ =	vpop (xrf2)  }
0x8b: {  	v60 =	vmov s30;
	v2 =	vbroadcast v2, $0xF;
	v61, _, _ =	vpop (xrf2)  }
0x8c: {  	v62 =	vmov s29;
	vm0 =	veq.s32 v60, v0;
	v63 =	vld [tilespmem:s31+$0x14800];
	v5 =	vbroadcast v61, $0xF  }
0x8d: {  	s12 =	sadd.s32 $0x1, s12;
	vm15 =	veq.s32 v62, v0;
	v1 =	vsel vm0, v2, v1  }
0x8e: {  	p0 =	sne.s32 s12, $0x8;
	v1 =	vsel vm15, v5, v1  }
.Ltmp1:
0x8f: {  	v1 =	vadd.f32 v3, v1;
	(pc) =	sbr.rel @p0 .LBB2_2-.Ltmp1, $3  }
0x90: {  	_ = 	snop  }
0x91: {  	v1 =	vadd.f32 v63, v1;
	_ =	sdelay $0x1  }
0x92: {  	s10 =	sadd.s32 $0x800, s10;
	s11 =	sadd.s32 $0x800, s11;
	[tilespmem:s31+$0x14A00] =	vst v1  }
0x93: {  	s10 =	simm.s32 $0x600;
	s11 =	simm.s32 $0x100  }
0x94: {  	[tilespmem:s10], [sflag:$0x1] =	stream.indirect.gather [hbm4b:s2+s16], $0x80, s11, s16, $0xb8;
	[tilespmem:$0x14C00] =	vst v63  }
0x95: {  	s11 =	simm.s32 $0x8600  }
0x96: {  	[tilespmem:s11], [sflag:$0x3] =	stream.indirect.gather [hbm4b:s3+s16], $0x80, s19, s16, $0xb8;
	[tilespmem:$0x14C00] =	vst v63  }
0x97: {  	_ =	swait.ge [sflag:s14], $0x4000  }
0x98: {  	[sflag:s14] =	ssyncset.done $0x0  }
0x99: {  	s12 =	simm.s32 $0x10600;
	s26 =	simm.s32 $0x500;
	[sflag:s14] =	ssyncadd.s32 $0xFFFFC000  }
0x9a: {  	[tilespmem:s12], [sflag:$0x8] =	stream.indirect.gather.add.f32 [hbm:s4], $0x80, s26, s16, $0xb8;
	[tilespmem:$0x14C00] =	vst v63  }
0x9b: {  	_ =	swait.ge [sflag:s18], $0x4000  }
0x9c: {  	[sflag:s18] =	ssyncset.done $0x0  }
0x9d: {  	[sflag:s18] =	ssyncadd.s32 $0xFFFFC000  }
0x9e: {  	_ =	swait.ge [sflag:s21], $0x4000  }
0x9f: {  	[sflag:s21] =	ssyncset.done $0x0  }
0xa0: {  	[sflag:s21] =	ssyncadd.s32 $0xFFFFC000  }
0xa1: {  	_ =	swait.ge [sflag:s5], $0x80  }
0xa2: {  	[sflag:s5] =	ssyncset.done $0x0  }
0xa3: {  	[sflag:s5] =	ssyncadd.s32 $0xFFFFFF80  }
0xa4: {  	_ =	swait.ge [sflag:s5], $0x80  }
0xa5: {  	s31 =	simm.s32 $0x4600;
	[sflag:s5] =	ssyncset.done $0x0  }
0xa6: {  	s26 =	simm.s32 $0x0;
	s12 =	simm.s32 $0x0;
	[sflag:s5] =	ssyncadd.s32 $0xFFFFFF80  }
.LBB2_6:
0xa7: {  	v2 =	vmov s10  }
0xa8: {  	v1 =	vmov s11;
	_ =	sdelay $0x2  }
0xa9: {  	s28 =	simm.s32 $0x0  }
0xaa: {  	v3 =	vld.idx.msk [tilespmem:v2+s28+$0x4060 ss:$0x1], $0xffff  }
0xab: {  	v4 =	vld.idx.msk [tilespmem:v1+s28+$0x4060 ss:$0x1], $0xffff  }
0xac: {  	v5 =	vld.idx.msk [tilespmem:v2+s28+$0x4040 ss:$0x1], $0xffff  }
0xad: {  	v6 =	vld.idx.msk [tilespmem:v1+s28+$0x4040 ss:$0x1], $0xffff  }
0xae: {  	v7 =	vld.idx.msk [tilespmem:v2+s28+$0x4000 ss:$0x1], $0xffff  }
0xaf: {  	v8 =	vld.idx.msk [tilespmem:v1+s28+$0x4000 ss:$0x1], $0xffff  }
0xb0: {  	v9 =	vld.idx.msk [tilespmem:v2+s28+$0x4010 ss:$0x1], $0xffff  }
0xb1: {  	v10 =	vld.idx.msk [tilespmem:v1+s28+$0x4010 ss:$0x1], $0xffff  }
0xb2: {  	v11 =	vld.idx.msk [tilespmem:v2+s28+$0x4020 ss:$0x1], $0xffff  }
0xb3: {  	v12 =	vld.idx.msk [tilespmem:v1+s28+$0x4020 ss:$0x1], $0xffff  }
0xb4: {  	v13 =	vld.idx.msk [tilespmem:v2+s28+$0x4030 ss:$0x1], $0xffff  }
0xb5: {  	v14 =	vld.idx.msk [tilespmem:v1+s28+$0x4030 ss:$0x1], $0xffff  }
0xb6: {  	v15 =	vld.idx.msk [tilespmem:v2+s28+$0x4050 ss:$0x1], $0xffff  }
0xb7: {  	v16 =	vld.idx.msk [tilespmem:v1+s28+$0x4050 ss:$0x1], $0xffff  }
0xb8: {  	v17 =	vld.idx.msk [tilespmem:v2+s28+$0x4070 ss:$0x1], $0xffff  }
0xb9: {  	s29 =	simm.s32 $0x80;
	v18 =	vld.idx.msk [tilespmem:v1+s28+$0x4070 ss:$0x1], $0xffff  }
0xba: {  	v19 =	vld.idx.msk [tilespmem:v2+s29+$0x4060 ss:$0x1], $0xffff  }
0xbb: {  	v20 =	vld.idx.msk [tilespmem:v1+s29+$0x4060 ss:$0x1], $0xffff;
	v7 =	vmul.f32 v8, v7;
	v8 =	vmul.f32 v10, v9  }
0xbc: {  	v63 =	vld.idx.msk [tilespmem:v1+s29+$0x4070 ss:$0x1], $0xffff;
	v10 =	vmul.f32 v12, v11;
	v11 =	vmul.f32 v14, v13  }
0xbd: {  	v9 =	vld.idx.msk [tilespmem:v2+s29+$0x4040 ss:$0x1], $0xffff;
	v5 =	vmul.f32 v6, v5  }
0xbe: {  	v12 =	vld.idx.msk [tilespmem:v1+s29+$0x4040 ss:$0x1], $0xffff;
	v7 =	vadd.f32 v10, v7;
	v8 =	vadd.f32 v11, v8;
	v10 =	vmul.f32 v16, v15  }
0xbf: {  	v6 =	vld.idx.msk [tilespmem:v2+s29+$0x4000 ss:$0x1], $0xffff;
	v3 =	vmul.f32 v4, v3  }
0xc0: {  	v4 =	vld.idx.msk [tilespmem:v2+s29+$0x4010 ss:$0x1], $0xffff;
	v5 =	vadd.f32 v5, v7;
	v7 =	vadd.f32 v10, v8;
	v8 =	vmul.f32 v18, v17  }
0xc1: {  	v13 =	vld.idx.msk [tilespmem:v2+s29+$0x4020 ss:$0x1], $0xffff  }
0xc2: {  	v14 =	vld.idx.msk [tilespmem:v2+s29+$0x4030 ss:$0x1], $0xffff;
	v3 =	vadd.f32 v3, v5;
	v5 =	vadd.f32 v8, v7  }
0xc3: {  	v11 =	vld.idx.msk [tilespmem:v1+s29+$0x4000 ss:$0x1], $0xffff  }
0xc4: {  	v15 =	vld.idx.msk [tilespmem:v1+s29+$0x4030 ss:$0x1], $0xffff;
	v3 =	vadd.f32 v5, v3  }
0xc5: {  	v10 =	vld.idx.msk [tilespmem:v1+s29+$0x4010 ss:$0x1], $0xffff  }
0xc6: {  	v8 =	vld.idx.msk [tilespmem:v1+s29+$0x4020 ss:$0x1], $0xffff;
	(xrf2) =	vadd.scan.msk.f32 $0xffff, v3  }
0xc7: {  	v16 =	vld.idx.msk [tilespmem:v2+s29+$0x4050 ss:$0x1], $0xffff  }
0xc8: {  	v3 =	vld.idx.msk [tilespmem:v1+s29+$0x4050 ss:$0x1], $0xffff  }
0xc9: {  	s28 =	simm.s32 $0x100;
	v17 =	vld.idx.msk [tilespmem:v2+s29+$0x4070 ss:$0x1], $0xffff;
	v12 =	vmul.f32 v12, v9  }
0xca: {  	v9 =	vld.idx.msk [tilespmem:v1+s28+$0x4000 ss:$0x1], $0xffff;
	v11 =	vmul.f32 v11, v6;
	v10 =	vmul.f32 v10, v4  }
0xcb: {  	v7 =	vld.idx.msk [tilespmem:v1+s28+$0x4060 ss:$0x1], $0xffff;
	v8 =	vmul.f32 v8, v13;
	v13 =	vmul.f32 v15, v14  }
0xcc: {  	v6 =	vld.idx.msk [tilespmem:v1+s28+$0x4040 ss:$0x1], $0xffff  }
0xcd: {  	v5 =	vld.idx.msk [tilespmem:v2+s28+$0x4060 ss:$0x1], $0xffff;
	v11 =	vadd.f32 v8, v11;
	v10 =	vadd.f32 v13, v10;
	v3 =	vmul.f32 v3, v16  }
0xce: {  	v4 =	vld.idx.msk [tilespmem:v2+s28+$0x4040 ss:$0x1], $0xffff;
	v14 =	vmul.f32 v63, v17  }
0xcf: {  	v8 =	vld.idx.msk [tilespmem:v2+s28+$0x4000 ss:$0x1], $0xffff;
	v13 =	vmul.f32 v20, v19;
	v12 =	vadd.f32 v12, v11;
	v3 =	vadd.f32 v3, v10  }
0xd0: {  	v16 =	vmov s26;
	v11 =	vld.idx.msk [tilespmem:v1+s28+$0x4010 ss:$0x1], $0xffff;
	v15, _, _ =	vpop (xrf2)  }
0xd1: {  	v10 =	vld.idx.msk [tilespmem:v2+s28+$0x4010 ss:$0x1], $0xffff;
	v17 =	vadd.f32 v13, v12;
	v14 =	vadd.f32 v14, v3;
	v15 =	vbroadcast v15, $0xF  }
0xd2: {  	vm0 =	veq.s32 v16, v0;
	v12 =	vld.idx.msk [tilespmem:v2+s28+$0x4020 ss:$0x1], $0xffff;
	v3 =	vimm.f32 $0.0e+00  }
0xd3: {  	v13 =	vld.idx.msk [tilespmem:v1+s28+$0x4020 ss:$0x1], $0xffff;
	v3 =	vsel vm0, v15, v3;
	v15 =	vadd.f32 v14, v17  }
0xd4: {  	s30 =	simm.s32 $0x600;
	s29 =	simm.s32 $0x0;
	v14 =	vld.idx.msk [tilespmem:v2+s28+$0x4030 ss:$0x1], $0xffff  }
.LBB2_7:
0xd5: {  	p0 =	sne.s32 s30, $0x1E00;
	v16 =	vld.idx.msk [tilespmem:v1+s28+$0x4030 ss:$0x1], $0xffff;
	(xrf2) =	vadd.scan.msk.f32 $0xffff, v15  }
0xd6: {  	v15 =	vld.idx.msk [tilespmem:v2+s28+$0x4050 ss:$0x1], $0xffff  }
0xd7: {  	v17 =	vld.idx.msk [tilespmem:v1+s28+$0x4050 ss:$0x1], $0xffff  }
0xd8: {  	v18 =	vld.idx.msk [tilespmem:v2+s28+$0x4070 ss:$0x1], $0xffff  }
0xd9: {  	v19 =	vld.idx.msk [tilespmem:v1+s28+$0x4070 ss:$0x1], $0xffff;
	s28 =	sshra.s32 s30, $0x2  }
0xda: {  	v8 =	vmul.f32 v9, v8;
	v9 =	vmul.f32 v11, v10;
	v20 =	vld.idx.msk [tilespmem:v2+s28+$0x4060 ss:$0x1], $0xffff  }
0xdb: {  	v10 =	vmul.f32 v13, v12;
	v11 =	vmul.f32 v16, v14;
	v21 =	vld.idx.msk [tilespmem:v1+s28+$0x4060 ss:$0x1], $0xffff  }
0xdc: {  	v12 =	vmul.f32 v6, v4;
	v4 =	vld.idx.msk [tilespmem:v2+s28+$0x4040 ss:$0x1], $0xffff  }
0xdd: {  	v10 =	vadd.f32 v10, v8;
	v11 =	vadd.f32 v11, v9;
	v13 =	vmul.f32 v17, v15;
	v6 =	vld.idx.msk [tilespmem:v1+s28+$0x4040 ss:$0x1], $0xffff  }
0xde: {  	v7 =	vmul.f32 v7, v5;
	v8 =	vld.idx.msk [tilespmem:v2+s28+$0x4000 ss:$0x1], $0xffff  }
0xdf: {  	s29 =	sadd.s32 $0x1, s29;
	v12 =	vadd.f32 v12, v10;
	v13 =	vadd.f32 v13, v11;
	v14 =	vmul.f32 v19, v18;
	v9 =	vld.idx.msk [tilespmem:v1+s28+$0x4000 ss:$0x1], $0xffff;
	v5, _, _ =	vpop (xrf2)  }
.Ltmp2:
0xe0: {  	v15 =	vmov s29;
	v10 =	vld.idx.msk [tilespmem:v2+s28+$0x4010 ss:$0x1], $0xffff;
	v16 =	vbroadcast v5, $0xF;
	v5 =	vmov v20;
	(pc) =	sbr.rel @p0 .LBB2_7-.Ltmp2, $4  }
0xe1: {  	vm0 =	veq.s32 v15, v0;
	v17 =	vadd.f32 v7, v12;
	v14 =	vadd.f32 v14, v13;
	v11 =	vld.idx.msk [tilespmem:v1+s28+$0x4010 ss:$0x1], $0xffff  }
0xe2: {  	v7 =	vmov v21;
	v12 =	vld.idx.msk [tilespmem:v2+s28+$0x4020 ss:$0x1], $0xffff;
	v3 =	vsel vm0, v16, v3  }
0xe3: {  	v15 =	vadd.f32 v14, v17;
	v13 =	vld.idx.msk [tilespmem:v1+s28+$0x4020 ss:$0x1], $0xffff  }
0xe4: {  	s30 =	sadd.s32 $0x200, s30;
	v14 =	vld.idx.msk [tilespmem:v2+s28+$0x4030 ss:$0x1], $0xffff  }
0xe5: {  	_ =	sdelay $0x3  }
0xe6: {  	v16 =	vld.idx.msk [tilespmem:v1+s28+$0x4030 ss:$0x1], $0xffff  }
0xe7: {  	v17 =	vld.idx.msk [tilespmem:v2+s28+$0x4050 ss:$0x1], $0xffff  }
0xe8: {  	v18 =	vld.idx.msk [tilespmem:v1+s28+$0x4050 ss:$0x1], $0xffff  }
0xe9: {  	v2 =	vld.idx.msk [tilespmem:v2+s28+$0x4070 ss:$0x1], $0xffff  }
0xea: {  	v8 =	vmul.f32 v9, v8;
	v1 =	vld.idx.msk [tilespmem:v1+s28+$0x4070 ss:$0x1], $0xffff;
	v53 =	vmul.f32 v11, v10  }
0xeb: {  	v54 =	vmul.f32 v13, v12;
	v55 =	vmul.f32 v16, v14  }
0xec: {  	v4 =	vmul.f32 v6, v4  }
0xed: {  	v56 =	vadd.f32 v54, v8;
	v58 =	vmul.f32 v18, v17;
	v57 =	vadd.f32 v55, v53  }
0xee: {  	v5 =	vmul.f32 v7, v5  }
0xef: {  	v1 =	vmul.f32 v1, v2;
	v4 =	vadd.f32 v4, v56;
	v59 =	vadd.f32 v58, v57;
	_ =	sdelay $0x1  }
0xf0: {  	v2 =	vadd.f32 v5, v4;
	v1 =	vadd.f32 v1, v59;
	_ =	sdelay $0x1  }
0xf1: {  	v1 =	vadd.f32 v1, v2  }
0xf2: {  	(xrf2) =	vadd.scan.msk.f32 $0xffff, v15  }
0xf3: {  	(xrf2) =	vadd.scan.msk.f32 $0xffff, v1;
	_ =	sdelay $0x7  }
0xf4: {  	s30 =	sshll.u32 s12, $0x4  }
0xf5: {  	s29 =	sadd.s32 $0x1, s29;
	v2 =	vld [tilespmem:s30+$0x14680];
	v1, _, _ =	vpop (xrf2)  }
0xf6: {  	v60 =	vmov s29;
	s29 =	sadd.s32 $0x1, s29;
	v1 =	vbroadcast v1, $0xF;
	v61, _, _ =	vpop (xrf2)  }
0xf7: {  	v63 =	vld [tilespmem:s30+$0x14880];
	vm0 =	veq.s32 v60, v0;
	v62 =	vmov s29;
	v5 =	vbroadcast v61, $0xF  }
0xf8: {  	s12 =	sadd.s32 $0x1, s12;
	vm15 =	veq.s32 v62, v0;
	v1 =	vsel vm0, v1, v3  }
0xf9: {  	p0 =	sne.s32 s12, $0x8;
	v1 =	vsel vm15, v5, v1  }
.Ltmp3:
0xfa: {  	v1 =	vadd.f32 v2, v1;
	(pc) =	sbr.rel @p0 .LBB2_6-.Ltmp3, $3  }
0xfb: {  	_ = 	snop  }
0xfc: {  	v1 =	vadd.f32 v63, v1;
	_ =	sdelay $0x1  }
0xfd: {  	s10 =	sadd.s32 $0x800, s10;
	s11 =	sadd.s32 $0x800, s11;
	[tilespmem:s30+$0x14A80] =	vst v1  }
0xfe: {  	s10 =	simm.s32 $0x180  }
0xff: {  	[tilespmem:s31], [sflag:$0x2] =	stream.indirect.gather [hbm4b:s2+s16], $0x80, s10, s16, $0xb8;
	[tilespmem:$0x14C00] =	vst v63  }
0x100: {  	_ =	swait.ge [sflag:s24], $0x4000  }
0x101: {  	[sflag:s24] =	ssyncset.done $0x0  }
0x102: {  	s11 =	simm.s32 $0x580;
	s10 =	simm.s32 $0x8600;
	[sflag:s24] =	ssyncadd.s32 $0xFFFFC000  }
0x103: {  	[tilespmem:s10], [sflag:$0x6] =	stream.indirect.gather.add.f32 [hbm:s4], $0x80, s11, s16, $0xb8;
	[tilespmem:$0x14C00] =	vst v63  }
0x104: {  	_ =	swait.ge [sflag:s17], $0x4000  }
0x105: {  	[sflag:s17] =	ssyncset.done $0x0  }
0x106: {  	[sflag:s17] =	ssyncadd.s32 $0xFFFFC000  }
0x107: {  	_ =	swait.ge [sflag:s8], $0x4000  }
0x108: {  	[sflag:s8] =	ssyncset.done $0x0  }
0x109: {  	[sflag:s8] =	ssyncadd.s32 $0xFFFFC000  }
0x10a: {  	_ =	swait.ge [sflag:s5], $0x80  }
0x10b: {  	[sflag:s5] =	ssyncset.done $0x0  }
0x10c: {  	[sflag:s5] =	ssyncadd.s32 $0xFFFFFF80  }
0x10d: {  	_ =	swait.ge [sflag:s5], $0x80  }
0x10e: {  	s26 =	simm.s32 $0x640;
	[sflag:s5] =	ssyncset.done $0x0  }
0x10f: {  	s12 =	simm.s32 $0x0;
	s11 =	simm.s32 $0x0;
	[sflag:s5] =	ssyncadd.s32 $0xFFFFFF80  }
.LBB2_10:
0x110: {  	v2 =	vmov s26  }
0x111: {  	v1 =	vmov s10;
	_ =	sdelay $0x2  }
0x112: {  	s28 =	simm.s32 $0x0  }
0x113: {  	v3 =	vld.idx.msk [tilespmem:v2+s28+$0x20 ss:$0x1], $0xffff  }
0x114: {  	v4 =	vld.idx.msk [tilespmem:v1+s28+$0x8060 ss:$0x1], $0xffff  }
0x115: {  	v5 =	vld.idx.msk [tilespmem:v2+s28+$0x0 ss:$0x1], $0xffff  }
0x116: {  	v6 =	vld.idx.msk [tilespmem:v1+s28+$0x8040 ss:$0x1], $0xffff  }
0x117: {  	v7 =	vld.idx.msk [tilespmem:v2+s28+$0xFFFFFFC0 ss:$0x1], $0xffff  }
0x118: {  	v8 =	vld.idx.msk [tilespmem:v1+s28+$0x8000 ss:$0x1], $0xffff  }
0x119: {  	v9 =	vld.idx.msk [tilespmem:v2+s28+$0xFFFFFFD0 ss:$0x1], $0xffff  }
0x11a: {  	v10 =	vld.idx.msk [tilespmem:v1+s28+$0x8010 ss:$0x1], $0xffff  }
0x11b: {  	v11 =	vld.idx.msk [tilespmem:v2+s28+$0xFFFFFFE0 ss:$0x1], $0xffff  }
0x11c: {  	v12 =	vld.idx.msk [tilespmem:v1+s28+$0x8020 ss:$0x1], $0xffff  }
0x11d: {  	v13 =	vld.idx.msk [tilespmem:v2+s28+$0xFFFFFFF0 ss:$0x1], $0xffff  }
0x11e: {  	v14 =	vld.idx.msk [tilespmem:v1+s28+$0x8030 ss:$0x1], $0xffff  }
0x11f: {  	v15 =	vld.idx.msk [tilespmem:v2+s28+$0x10 ss:$0x1], $0xffff  }
0x120: {  	v16 =	vld.idx.msk [tilespmem:v1+s28+$0x8050 ss:$0x1], $0xffff  }
0x121: {  	v17 =	vld.idx.msk [tilespmem:v2+s28+$0x30 ss:$0x1], $0xffff  }
0x122: {  	s29 =	simm.s32 $0x80;
	v18 =	vld.idx.msk [tilespmem:v1+s28+$0x8070 ss:$0x1], $0xffff  }
0x123: {  	v19 =	vld.idx.msk [tilespmem:v2+s29+$0x20 ss:$0x1], $0xffff  }
0x124: {  	v20 =	vld.idx.msk [tilespmem:v1+s29+$0x8060 ss:$0x1], $0xffff;
	v7 =	vmul.f32 v8, v7;
	v8 =	vmul.f32 v10, v9  }
0x125: {  	v63 =	vld.idx.msk [tilespmem:v1+s29+$0x8070 ss:$0x1], $0xffff;
	v10 =	vmul.f32 v12, v11;
	v11 =	vmul.f32 v14, v13  }
0x126: {  	v9 =	vld.idx.msk [tilespmem:v2+s29+$0x0 ss:$0x1], $0xffff;
	v5 =	vmul.f32 v6, v5  }
0x127: {  	v12 =	vld.idx.msk [tilespmem:v1+s29+$0x8040 ss:$0x1], $0xffff;
	v7 =	vadd.f32 v10, v7;
	v8 =	vadd.f32 v11, v8;
	v10 =	vmul.f32 v16, v15  }
0x128: {  	v6 =	vld.idx.msk [tilespmem:v2+s29+$0xFFFFFFC0 ss:$0x1], $0xffff;
	v3 =	vmul.f32 v4, v3  }
0x129: {  	v4 =	vld.idx.msk [tilespmem:v2+s29+$0xFFFFFFD0 ss:$0x1], $0xffff;
	v5 =	vadd.f32 v5, v7;
	v7 =	vadd.f32 v10, v8;
	v8 =	vmul.f32 v18, v17  }
0x12a: {  	v13 =	vld.idx.msk [tilespmem:v2+s29+$0xFFFFFFE0 ss:$0x1], $0xffff  }
0x12b: {  	v14 =	vld.idx.msk [tilespmem:v2+s29+$0xFFFFFFF0 ss:$0x1], $0xffff;
	v3 =	vadd.f32 v3, v5;
	v5 =	vadd.f32 v8, v7  }
0x12c: {  	v11 =	vld.idx.msk [tilespmem:v1+s29+$0x8000 ss:$0x1], $0xffff  }
0x12d: {  	v15 =	vld.idx.msk [tilespmem:v1+s29+$0x8030 ss:$0x1], $0xffff;
	v3 =	vadd.f32 v5, v3  }
0x12e: {  	v10 =	vld.idx.msk [tilespmem:v1+s29+$0x8010 ss:$0x1], $0xffff  }
0x12f: {  	v8 =	vld.idx.msk [tilespmem:v1+s29+$0x8020 ss:$0x1], $0xffff;
	(xrf2) =	vadd.scan.msk.f32 $0xffff, v3  }
0x130: {  	v16 =	vld.idx.msk [tilespmem:v2+s29+$0x10 ss:$0x1], $0xffff  }
0x131: {  	v3 =	vld.idx.msk [tilespmem:v1+s29+$0x8050 ss:$0x1], $0xffff  }
0x132: {  	s28 =	simm.s32 $0x100;
	v17 =	vld.idx.msk [tilespmem:v2+s29+$0x30 ss:$0x1], $0xffff;
	v12 =	vmul.f32 v12, v9  }
0x133: {  	v9 =	vld.idx.msk [tilespmem:v1+s28+$0x8000 ss:$0x1], $0xffff;
	v11 =	vmul.f32 v11, v6;
	v10 =	vmul.f32 v10, v4  }
0x134: {  	v7 =	vld.idx.msk [tilespmem:v1+s28+$0x8060 ss:$0x1], $0xffff;
	v8 =	vmul.f32 v8, v13;
	v13 =	vmul.f32 v15, v14  }
0x135: {  	v6 =	vld.idx.msk [tilespmem:v1+s28+$0x8040 ss:$0x1], $0xffff  }
0x136: {  	v5 =	vld.idx.msk [tilespmem:v2+s28+$0x20 ss:$0x1], $0xffff;
	v11 =	vadd.f32 v8, v11;
	v10 =	vadd.f32 v13, v10;
	v3 =	vmul.f32 v3, v16  }
0x137: {  	v4 =	vld.idx.msk [tilespmem:v2+s28+$0x0 ss:$0x1], $0xffff;
	v14 =	vmul.f32 v63, v17  }
0x138: {  	v8 =	vld.idx.msk [tilespmem:v2+s28+$0xFFFFFFC0 ss:$0x1], $0xffff;
	v13 =	vmul.f32 v20, v19;
	v12 =	vadd.f32 v12, v11;
	v3 =	vadd.f32 v3, v10  }
0x139: {  	v16 =	vmov s11;
	v11 =	vld.idx.msk [tilespmem:v1+s28+$0x8010 ss:$0x1], $0xffff;
	v15, _, _ =	vpop (xrf2)  }
0x13a: {  	v10 =	vld.idx.msk [tilespmem:v2+s28+$0xFFFFFFD0 ss:$0x1], $0xffff;
	v17 =	vadd.f32 v13, v12;
	v14 =	vadd.f32 v14, v3;
	v15 =	vbroadcast v15, $0xF  }
0x13b: {  	vm0 =	veq.s32 v16, v0;
	v12 =	vld.idx.msk [tilespmem:v2+s28+$0xFFFFFFE0 ss:$0x1], $0xffff;
	v3 =	vimm.f32 $0.0e+00  }
0x13c: {  	v13 =	vld.idx.msk [tilespmem:v1+s28+$0x8020 ss:$0x1], $0xffff;
	v3 =	vsel vm0, v15, v3;
	v15 =	vadd.f32 v14, v17  }
0x13d: {  	s30 =	simm.s32 $0x600;
	s29 =	simm.s32 $0x0;
	v14 =	vld.idx.msk [tilespmem:v2+s28+$0xFFFFFFF0 ss:$0x1], $0xffff  }
.LBB2_11:
0x13e: {  	p0 =	sne.s32 s30, $0x1E00;
	v16 =	vld.idx.msk [tilespmem:v1+s28+$0x8030 ss:$0x1], $0xffff;
	(xrf2) =	vadd.scan.msk.f32 $0xffff, v15  }
0x13f: {  	v15 =	vld.idx.msk [tilespmem:v2+s28+$0x10 ss:$0x1], $0xffff  }
0x140: {  	v17 =	vld.idx.msk [tilespmem:v1+s28+$0x8050 ss:$0x1], $0xffff  }
0x141: {  	v18 =	vld.idx.msk [tilespmem:v2+s28+$0x30 ss:$0x1], $0xffff  }
0x142: {  	v19 =	vld.idx.msk [tilespmem:v1+s28+$0x8070 ss:$0x1], $0xffff;
	s28 =	sshra.s32 s30, $0x2  }
0x143: {  	v8 =	vmul.f32 v9, v8;
	v9 =	vmul.f32 v11, v10;
	v20 =	vld.idx.msk [tilespmem:v2+s28+$0x20 ss:$0x1], $0xffff  }
0x144: {  	v10 =	vmul.f32 v13, v12;
	v11 =	vmul.f32 v16, v14;
	v21 =	vld.idx.msk [tilespmem:v1+s28+$0x8060 ss:$0x1], $0xffff  }
0x145: {  	v12 =	vmul.f32 v6, v4;
	v4 =	vld.idx.msk [tilespmem:v2+s28+$0x0 ss:$0x1], $0xffff  }
0x146: {  	v10 =	vadd.f32 v10, v8;
	v11 =	vadd.f32 v11, v9;
	v13 =	vmul.f32 v17, v15;
	v6 =	vld.idx.msk [tilespmem:v1+s28+$0x8040 ss:$0x1], $0xffff  }
0x147: {  	v7 =	vmul.f32 v7, v5;
	v8 =	vld.idx.msk [tilespmem:v2+s28+$0xFFFFFFC0 ss:$0x1], $0xffff  }
0x148: {  	s29 =	sadd.s32 $0x1, s29;
	v12 =	vadd.f32 v12, v10;
	v13 =	vadd.f32 v13, v11;
	v14 =	vmul.f32 v19, v18;
	v9 =	vld.idx.msk [tilespmem:v1+s28+$0x8000 ss:$0x1], $0xffff;
	v5, _, _ =	vpop (xrf2)  }
.Ltmp4:
0x149: {  	v15 =	vmov s29;
	v10 =	vld.idx.msk [tilespmem:v2+s28+$0xFFFFFFD0 ss:$0x1], $0xffff;
	v16 =	vbroadcast v5, $0xF;
	v5 =	vmov v20;
	(pc) =	sbr.rel @p0 .LBB2_11-.Ltmp4, $4  }
0x14a: {  	vm0 =	veq.s32 v15, v0;
	v17 =	vadd.f32 v7, v12;
	v14 =	vadd.f32 v14, v13;
	v11 =	vld.idx.msk [tilespmem:v1+s28+$0x8010 ss:$0x1], $0xffff  }
0x14b: {  	v7 =	vmov v21;
	v12 =	vld.idx.msk [tilespmem:v2+s28+$0xFFFFFFE0 ss:$0x1], $0xffff;
	v3 =	vsel vm0, v16, v3  }
0x14c: {  	v15 =	vadd.f32 v14, v17;
	v13 =	vld.idx.msk [tilespmem:v1+s28+$0x8020 ss:$0x1], $0xffff  }
0x14d: {  	s30 =	sadd.s32 $0x200, s30;
	v14 =	vld.idx.msk [tilespmem:v2+s28+$0xFFFFFFF0 ss:$0x1], $0xffff  }
0x14e: {  	_ =	sdelay $0x3  }
0x14f: {  	v16 =	vld.idx.msk [tilespmem:v1+s28+$0x8030 ss:$0x1], $0xffff  }
0x150: {  	v17 =	vld.idx.msk [tilespmem:v2+s28+$0x10 ss:$0x1], $0xffff  }
0x151: {  	v18 =	vld.idx.msk [tilespmem:v1+s28+$0x8050 ss:$0x1], $0xffff  }
0x152: {  	v2 =	vld.idx.msk [tilespmem:v2+s28+$0x30 ss:$0x1], $0xffff  }
0x153: {  	v8 =	vmul.f32 v9, v8;
	v1 =	vld.idx.msk [tilespmem:v1+s28+$0x8070 ss:$0x1], $0xffff;
	v53 =	vmul.f32 v11, v10  }
0x154: {  	v54 =	vmul.f32 v13, v12;
	v55 =	vmul.f32 v16, v14  }
0x155: {  	v4 =	vmul.f32 v6, v4  }
0x156: {  	v56 =	vadd.f32 v54, v8;
	v58 =	vmul.f32 v18, v17;
	v57 =	vadd.f32 v55, v53  }
0x157: {  	v5 =	vmul.f32 v7, v5  }
0x158: {  	v1 =	vmul.f32 v1, v2;
	v4 =	vadd.f32 v4, v56;
	v59 =	vadd.f32 v58, v57;
	_ =	sdelay $0x1  }
0x159: {  	v2 =	vadd.f32 v5, v4;
	v1 =	vadd.f32 v1, v59;
	_ =	sdelay $0x1  }
0x15a: {  	v1 =	vadd.f32 v1, v2  }
0x15b: {  	(xrf2) =	vadd.scan.msk.f32 $0xffff, v15  }
0x15c: {  	(xrf2) =	vadd.scan.msk.f32 $0xffff, v1;
	_ =	sdelay $0x7  }
0x15d: {  	s30 =	sshll.u32 s12, $0x4  }
0x15e: {  	s29 =	sadd.s32 $0x1, s29;
	v2 =	vld [tilespmem:s30+$0x14700];
	v1, _, _ =	vpop (xrf2)  }
0x15f: {  	v60 =	vmov s29;
	s29 =	sadd.s32 $0x1, s29;
	v1 =	vbroadcast v1, $0xF;
	v61, _, _ =	vpop (xrf2)  }
0x160: {  	v63 =	vld [tilespmem:s30+$0x14900];
	vm0 =	veq.s32 v60, v0;
	v62 =	vmov s29;
	v5 =	vbroadcast v61, $0xF  }
0x161: {  	s12 =	sadd.s32 $0x1, s12;
	vm15 =	veq.s32 v62, v0;
	v1 =	vsel vm0, v1, v3  }
0x162: {  	p0 =	sne.s32 s12, $0x8;
	v1 =	vsel vm15, v5, v1  }
.Ltmp5:
0x163: {  	v1 =	vadd.f32 v2, v1;
	(pc) =	sbr.rel @p0 .LBB2_10-.Ltmp5, $3  }
0x164: {  	_ = 	snop  }
0x165: {  	v1 =	vadd.f32 v63, v1;
	_ =	sdelay $0x1  }
0x166: {  	s10 =	sadd.s32 $0x800, s10;
	s26 =	sadd.s32 $0x800, s26;
	[tilespmem:s30+$0x14B00] =	vst v1  }
0x167: {  	_ =	swait.ge [sflag:s18], $0x4000  }
0x168: {  	[sflag:s18] =	ssyncset.done $0x0  }
0x169: {  	[sflag:s18] =	ssyncadd.s32 $0xFFFFC000  }
0x16a: {  	_ =	swait.ge [sflag:s20], $0x4000  }
0x16b: {  	[sflag:s20] =	ssyncset.done $0x0  }
0x16c: {  	[sflag:s20] =	ssyncadd.s32 $0xFFFFC000  }
0x16d: {  	_ =	swait.ge [sflag:s5], $0x80  }
0x16e: {  	[sflag:s5] =	ssyncset.done $0x0  }
0x16f: {  	[sflag:s5] =	ssyncadd.s32 $0xFFFFFF80  }
0x170: {  	_ =	swait.ge [sflag:s5], $0x80  }
0x171: {  	s10 =	simm.s32 $0x0;
	s11 =	simm.s32 $0x600;
	[sflag:s5] =	ssyncset.done $0x0  }
0x172: {  	s26 =	simm.s32 $0x8640;
	s12 =	simm.s32 $0x0;
	[sflag:s5] =	ssyncadd.s32 $0xFFFFFF80  }
.LBB2_14:
0x173: {  	v2 =	vmov s11  }
0x174: {  	v1 =	vmov s26;
	_ =	sdelay $0x2  }
0x175: {  	s28 =	simm.s32 $0x0  }
0x176: {  	v3 =	vld.idx.msk [tilespmem:v2+s28+$0x4060 ss:$0x1], $0xffff  }
0x177: {  	v4 =	vld.idx.msk [tilespmem:v1+s28+$0x20 ss:$0x1], $0xffff  }
0x178: {  	v5 =	vld.idx.msk [tilespmem:v2+s28+$0x4040 ss:$0x1], $0xffff  }
0x179: {  	v6 =	vld.idx.msk [tilespmem:v1+s28+$0x0 ss:$0x1], $0xffff  }
0x17a: {  	v7 =	vld.idx.msk [tilespmem:v2+s28+$0x4000 ss:$0x1], $0xffff  }
0x17b: {  	v8 =	vld.idx.msk [tilespmem:v1+s28+$0xFFFFFFC0 ss:$0x1], $0xffff  }
0x17c: {  	v9 =	vld.idx.msk [tilespmem:v2+s28+$0x4010 ss:$0x1], $0xffff  }
0x17d: {  	v10 =	vld.idx.msk [tilespmem:v1+s28+$0xFFFFFFD0 ss:$0x1], $0xffff  }
0x17e: {  	v11 =	vld.idx.msk [tilespmem:v2+s28+$0x4020 ss:$0x1], $0xffff  }
0x17f: {  	v12 =	vld.idx.msk [tilespmem:v1+s28+$0xFFFFFFE0 ss:$0x1], $0xffff  }
0x180: {  	v13 =	vld.idx.msk [tilespmem:v2+s28+$0x4030 ss:$0x1], $0xffff  }
0x181: {  	v14 =	vld.idx.msk [tilespmem:v1+s28+$0xFFFFFFF0 ss:$0x1], $0xffff  }
0x182: {  	v15 =	vld.idx.msk [tilespmem:v2+s28+$0x4050 ss:$0x1], $0xffff  }
0x183: {  	v16 =	vld.idx.msk [tilespmem:v1+s28+$0x10 ss:$0x1], $0xffff  }
0x184: {  	v17 =	vld.idx.msk [tilespmem:v2+s28+$0x4070 ss:$0x1], $0xffff  }
0x185: {  	s29 =	simm.s32 $0x80;
	v18 =	vld.idx.msk [tilespmem:v1+s28+$0x30 ss:$0x1], $0xffff  }
0x186: {  	v19 =	vld.idx.msk [tilespmem:v2+s29+$0x4060 ss:$0x1], $0xffff  }
0x187: {  	v20 =	vld.idx.msk [tilespmem:v1+s29+$0x20 ss:$0x1], $0xffff;
	v7 =	vmul.f32 v8, v7;
	v8 =	vmul.f32 v10, v9  }
0x188: {  	v63 =	vld.idx.msk [tilespmem:v1+s29+$0x30 ss:$0x1], $0xffff;
	v10 =	vmul.f32 v12, v11;
	v11 =	vmul.f32 v14, v13  }
0x189: {  	v9 =	vld.idx.msk [tilespmem:v2+s29+$0x4040 ss:$0x1], $0xffff;
	v5 =	vmul.f32 v6, v5  }
0x18a: {  	v12 =	vld.idx.msk [tilespmem:v1+s29+$0x0 ss:$0x1], $0xffff;
	v7 =	vadd.f32 v10, v7;
	v8 =	vadd.f32 v11, v8;
	v10 =	vmul.f32 v16, v15  }
0x18b: {  	v6 =	vld.idx.msk [tilespmem:v2+s29+$0x4000 ss:$0x1], $0xffff;
	v3 =	vmul.f32 v4, v3  }
0x18c: {  	v4 =	vld.idx.msk [tilespmem:v2+s29+$0x4010 ss:$0x1], $0xffff;
	v5 =	vadd.f32 v5, v7;
	v7 =	vadd.f32 v10, v8;
	v8 =	vmul.f32 v18, v17  }
0x18d: {  	v13 =	vld.idx.msk [tilespmem:v2+s29+$0x4020 ss:$0x1], $0xffff  }
0x18e: {  	v14 =	vld.idx.msk [tilespmem:v2+s29+$0x4030 ss:$0x1], $0xffff;
	v3 =	vadd.f32 v3, v5;
	v5 =	vadd.f32 v8, v7  }
0x18f: {  	v11 =	vld.idx.msk [tilespmem:v1+s29+$0xFFFFFFC0 ss:$0x1], $0xffff  }
0x190: {  	v15 =	vld.idx.msk [tilespmem:v1+s29+$0xFFFFFFF0 ss:$0x1], $0xffff;
	v3 =	vadd.f32 v5, v3  }
0x191: {  	v10 =	vld.idx.msk [tilespmem:v1+s29+$0xFFFFFFD0 ss:$0x1], $0xffff  }
0x192: {  	v8 =	vld.idx.msk [tilespmem:v1+s29+$0xFFFFFFE0 ss:$0x1], $0xffff;
	(xrf2) =	vadd.scan.msk.f32 $0xffff, v3  }
0x193: {  	v16 =	vld.idx.msk [tilespmem:v2+s29+$0x4050 ss:$0x1], $0xffff  }
0x194: {  	v3 =	vld.idx.msk [tilespmem:v1+s29+$0x10 ss:$0x1], $0xffff  }
0x195: {  	s28 =	simm.s32 $0x100;
	v17 =	vld.idx.msk [tilespmem:v2+s29+$0x4070 ss:$0x1], $0xffff;
	v12 =	vmul.f32 v12, v9  }
0x196: {  	v9 =	vld.idx.msk [tilespmem:v1+s28+$0xFFFFFFC0 ss:$0x1], $0xffff;
	v11 =	vmul.f32 v11, v6;
	v10 =	vmul.f32 v10, v4  }
0x197: {  	v7 =	vld.idx.msk [tilespmem:v1+s28+$0x20 ss:$0x1], $0xffff;
	v8 =	vmul.f32 v8, v13;
	v13 =	vmul.f32 v15, v14  }
0x198: {  	v6 =	vld.idx.msk [tilespmem:v1+s28+$0x0 ss:$0x1], $0xffff  }
0x199: {  	v5 =	vld.idx.msk [tilespmem:v2+s28+$0x4060 ss:$0x1], $0xffff;
	v11 =	vadd.f32 v8, v11;
	v10 =	vadd.f32 v13, v10;
	v3 =	vmul.f32 v3, v16  }
0x19a: {  	v4 =	vld.idx.msk [tilespmem:v2+s28+$0x4040 ss:$0x1], $0xffff;
	v14 =	vmul.f32 v63, v17  }
0x19b: {  	v8 =	vld.idx.msk [tilespmem:v2+s28+$0x4000 ss:$0x1], $0xffff;
	v13 =	vmul.f32 v20, v19;
	v12 =	vadd.f32 v12, v11;
	v3 =	vadd.f32 v3, v10  }
0x19c: {  	v16 =	vmov s10;
	v11 =	vld.idx.msk [tilespmem:v1+s28+$0xFFFFFFD0 ss:$0x1], $0xffff;
	v15, _, _ =	vpop (xrf2)  }
0x19d: {  	v10 =	vld.idx.msk [tilespmem:v2+s28+$0x4010 ss:$0x1], $0xffff;
	v17 =	vadd.f32 v13, v12;
	v14 =	vadd.f32 v14, v3;
	v15 =	vbroadcast v15, $0xF  }
0x19e: {  	vm0 =	veq.s32 v16, v0;
	v12 =	vld.idx.msk [tilespmem:v2+s28+$0x4020 ss:$0x1], $0xffff;
	v3 =	vimm.f32 $0.0e+00  }
0x19f: {  	v13 =	vld.idx.msk [tilespmem:v1+s28+$0xFFFFFFE0 ss:$0x1], $0xffff;
	v3 =	vsel vm0, v15, v3;
	v15 =	vadd.f32 v14, v17  }
0x1a0: {  	s30 =	simm.s32 $0x600;
	s29 =	simm.s32 $0x0;
	v14 =	vld.idx.msk [tilespmem:v2+s28+$0x4030 ss:$0x1], $0xffff  }
.LBB2_15:
0x1a1: {  	p0 =	sne.s32 s30, $0x1E00;
	v16 =	vld.idx.msk [tilespmem:v1+s28+$0xFFFFFFF0 ss:$0x1], $0xffff;
	(xrf2) =	vadd.scan.msk.f32 $0xffff, v15  }
0x1a2: {  	v15 =	vld.idx.msk [tilespmem:v2+s28+$0x4050 ss:$0x1], $0xffff  }
0x1a3: {  	v17 =	vld.idx.msk [tilespmem:v1+s28+$0x10 ss:$0x1], $0xffff  }
0x1a4: {  	v18 =	vld.idx.msk [tilespmem:v2+s28+$0x4070 ss:$0x1], $0xffff  }
0x1a5: {  	v19 =	vld.idx.msk [tilespmem:v1+s28+$0x30 ss:$0x1], $0xffff;
	s28 =	sshra.s32 s30, $0x2  }
0x1a6: {  	v8 =	vmul.f32 v9, v8;
	v9 =	vmul.f32 v11, v10;
	v20 =	vld.idx.msk [tilespmem:v2+s28+$0x4060 ss:$0x1], $0xffff  }
0x1a7: {  	v10 =	vmul.f32 v13, v12;
	v11 =	vmul.f32 v16, v14;
	v21 =	vld.idx.msk [tilespmem:v1+s28+$0x20 ss:$0x1], $0xffff  }
0x1a8: {  	v12 =	vmul.f32 v6, v4;
	v4 =	vld.idx.msk [tilespmem:v2+s28+$0x4040 ss:$0x1], $0xffff  }
0x1a9: {  	v10 =	vadd.f32 v10, v8;
	v11 =	vadd.f32 v11, v9;
	v13 =	vmul.f32 v17, v15;
	v6 =	vld.idx.msk [tilespmem:v1+s28+$0x0 ss:$0x1], $0xffff  }
0x1aa: {  	v7 =	vmul.f32 v7, v5;
	v8 =	vld.idx.msk [tilespmem:v2+s28+$0x4000 ss:$0x1], $0xffff  }
0x1ab: {  	s29 =	sadd.s32 $0x1, s29;
	v12 =	vadd.f32 v12, v10;
	v13 =	vadd.f32 v13, v11;
	v14 =	vmul.f32 v19, v18;
	v9 =	vld.idx.msk [tilespmem:v1+s28+$0xFFFFFFC0 ss:$0x1], $0xffff;
	v5, _, _ =	vpop (xrf2)  }
.Ltmp6:
0x1ac: {  	v15 =	vmov s29;
	v10 =	vld.idx.msk [tilespmem:v2+s28+$0x4010 ss:$0x1], $0xffff;
	v16 =	vbroadcast v5, $0xF;
	v5 =	vmov v20;
	(pc) =	sbr.rel @p0 .LBB2_15-.Ltmp6, $4  }
0x1ad: {  	vm0 =	veq.s32 v15, v0;
	v17 =	vadd.f32 v7, v12;
	v14 =	vadd.f32 v14, v13;
	v11 =	vld.idx.msk [tilespmem:v1+s28+$0xFFFFFFD0 ss:$0x1], $0xffff  }
0x1ae: {  	v7 =	vmov v21;
	v12 =	vld.idx.msk [tilespmem:v2+s28+$0x4020 ss:$0x1], $0xffff;
	v3 =	vsel vm0, v16, v3  }
0x1af: {  	v15 =	vadd.f32 v14, v17;
	v13 =	vld.idx.msk [tilespmem:v1+s28+$0xFFFFFFE0 ss:$0x1], $0xffff  }
0x1b0: {  	s30 =	sadd.s32 $0x200, s30;
	v14 =	vld.idx.msk [tilespmem:v2+s28+$0x4030 ss:$0x1], $0xffff  }
0x1b1: {  	_ =	sdelay $0x3  }
0x1b2: {  	v16 =	vld.idx.msk [tilespmem:v1+s28+$0xFFFFFFF0 ss:$0x1], $0xffff  }
0x1b3: {  	v17 =	vld.idx.msk [tilespmem:v2+s28+$0x4050 ss:$0x1], $0xffff  }
0x1b4: {  	v18 =	vld.idx.msk [tilespmem:v1+s28+$0x10 ss:$0x1], $0xffff  }
0x1b5: {  	v2 =	vld.idx.msk [tilespmem:v2+s28+$0x4070 ss:$0x1], $0xffff  }
0x1b6: {  	v8 =	vmul.f32 v9, v8;
	v1 =	vld.idx.msk [tilespmem:v1+s28+$0x30 ss:$0x1], $0xffff;
	v53 =	vmul.f32 v11, v10  }
0x1b7: {  	v54 =	vmul.f32 v13, v12;
	v55 =	vmul.f32 v16, v14  }
0x1b8: {  	v4 =	vmul.f32 v6, v4  }
0x1b9: {  	v56 =	vadd.f32 v54, v8;
	v58 =	vmul.f32 v18, v17;
	v57 =	vadd.f32 v55, v53  }
0x1ba: {  	v5 =	vmul.f32 v7, v5  }
0x1bb: {  	v1 =	vmul.f32 v1, v2;
	v4 =	vadd.f32 v4, v56;
	v59 =	vadd.f32 v58, v57;
	_ =	sdelay $0x1  }
0x1bc: {  	v2 =	vadd.f32 v5, v4;
	v1 =	vadd.f32 v1, v59;
	_ =	sdelay $0x1  }
0x1bd: {  	v1 =	vadd.f32 v1, v2  }
0x1be: {  	(xrf2) =	vadd.scan.msk.f32 $0xffff, v15  }
0x1bf: {  	(xrf2) =	vadd.scan.msk.f32 $0xffff, v1;
	_ =	sdelay $0x7  }
0x1c0: {  	s30 =	sshll.u32 s12, $0x4  }
0x1c1: {  	s29 =	sadd.s32 $0x1, s29;
	v2 =	vld [tilespmem:s30+$0x14780];
	v1, _, _ =	vpop (xrf2)  }
0x1c2: {  	v60 =	vmov s29;
	s29 =	sadd.s32 $0x1, s29;
	v1 =	vbroadcast v1, $0xF;
	v61, _, _ =	vpop (xrf2)  }
0x1c3: {  	v63 =	vld [tilespmem:s30+$0x14980];
	vm0 =	veq.s32 v60, v0;
	v62 =	vmov s29;
	v5 =	vbroadcast v61, $0xF  }
0x1c4: {  	s12 =	sadd.s32 $0x1, s12;
	vm15 =	veq.s32 v62, v0;
	v1 =	vsel vm0, v1, v3  }
0x1c5: {  	p0 =	sne.s32 s12, $0x8;
	v1 =	vsel vm15, v5, v1  }
.Ltmp7:
0x1c6: {  	v1 =	vadd.f32 v2, v1;
	(pc) =	sbr.rel @p0 .LBB2_14-.Ltmp7, $3  }
0x1c7: {  	_ = 	snop  }
0x1c8: {  	v1 =	vadd.f32 v63, v1;
	_ =	sdelay $0x1  }
0x1c9: {  	s11 =	sadd.s32 $0x800, s11;
	s26 =	sadd.s32 $0x800, s26;
	[tilespmem:s30+$0x14B80] =	vst v1  }
0x1ca: {  	s10 =	rddreg [dreg:$0xc];
	s11 =	simm.s32 $0x14A00  }
0x1cb: {  	[hbm4b:s10+s6] =	stream.linear.scatter [tilespmem:s11], [sflag:$0xD], $0x200, $0x38;
	[tilespmem:$0x14C00] =	vst v63  }
0x1cc: {  	_ =	swait.ge [sflag:s23], $0x200  }
0x1cd: {  	s9 =	sadd.s32 $0x1, s9;
	s30 =	rddreg [dreg:$0xd]  }
0x1ce: {  	p0 =	sne.s32 s9, s30  }
.Ltmp8:
0x1cf: {  	_ = 	snop;
	(pc) =	sbr.rel @p0 .LBB2_1-.Ltmp8, $3  }
0x1d0: {  	_ =	sdelay $0x1  }
0x1d1: {  	[sflag:s23] =	ssyncset.done $0x0  }
0x1d2: {  	[sflag:s23] =	ssyncadd.s32 $0xFFFFFE00  }
0x1d3: {  	_ =	sfence.sel $0x180000  }
0x1d4: {  	[bflag:$0x0] =	sbarrier.arrive $0xFFFF  }
0x1d5: {  	_ =	strace $0x90000047  }
0x1d6: {  	s0 =	stileid.u32;
	[bflag:$0x2] =	sbarrier.arrive $0xFFFF  }
0x1d7: {  	p0 =	sne.s32 s0, $0x0;
	s0 =	rddreg [dreg:$0x8]  }
0x1d8: {  	s0 =	sadd.s32 @!p0 $0x100000, s0  }
0x1d9: {  	[sflag:s0] =	ssyncadd.tile.s32 @!p0 $0x1;
	_ =	shalt  }
.Lfunc_end2:
_tile_overlayer_lowered:
.L_overlay_start_2:
0x1da: {  	(tag) =	ssettag $0x2  }
0x1db: {  	s0 =	rddreg [dreg:$0x0];
	s2 =	stileid.u32  }
0x1dc: {  	s1 =	rddreg [dreg:$0x1];
	p0 =	sne.s32 s2, $0x0  }
0x1dd: {  	s3 =	rddreg [dreg:$0x2];
	[bflag:$0x3] =	sbarrier.arrive $0xFFFF;
	s2 =	simm.s32 @!p0 $0x1C0E  }
0x1de: {  	[timem:s3], [sflag:s2] =	dma.local @!p0 [hbm:s0], s1  }
0x1df: {  	s0 =	simm.s32 @!p0 $0xE  }
0x1e0: {  	_ =	swait.ge @!p0 [sflag:s0], s1  }
0x1e1: {  	s1 =	ssub.s32 @!p0 $0x0, s1;
	[sflag:s0] =	ssyncset.done @!p0 $0x0  }
0x1e2: {  	[sflag:s0] =	ssyncadd.s32 @!p0 s1  }
0x1e3: {  	[bflag:$0x3] =	sbarrier.arrive $0xFFFF  }
0x1e4: {  	_ =	shalt  }

</sc_bundles>
